<compile_context>
chip_gen: v7x
topology: tpu7x:2x2x1
jax: 0.10.2.dev20260603
libtpu: 0.0.44.dev20260713+nightly
codegen_flags: <defaults>
</compile_context>

<pallas_src>
import functools

import jax
import jax.numpy as jnp
from jax import lax
from jax.experimental import pallas as pl
from jax.experimental.pallas import tpu as pltpu
from jax.experimental.pallas import tpu_sc as plsc

N_NODES = 10000
N_EDGES = 160000
D = 256
DH = 128

NPAD = 10240
EPAD = 163840
CHUNK = 128
EPT = EPAD // 16
NCHUNKS = EPT // CHUNK
ROWS_PT = NPAD // 16


def _degrees_body(ei_ref, deg_ref, idx_v, idx_b, zb_v, ones_v,
                  lsem_a, lsem_b, ssem_a, ssem_b, hist_sh):
    c = lax.axis_index("c")
    s = lax.axis_index("s")

    z16 = jnp.zeros((16,), jnp.float32)
    o16 = jnp.ones((16,), jnp.float32)
    for j in range(CHUNK // 16):
        ones_v[pl.ds(16 * j, 16)] = o16

    def zfill(i, _):
        zb_v[pl.ds(16 * i, 16)] = z16
        return 0

    lax.fori_loop(0, ROWS_PT // 16, zfill, 0)

    pltpu.sync_copy(zb_v, hist_sh.at[pl.ds(s * ROWS_PT, ROWS_PT)])
    plsc.subcore_barrier()

    def load_idx(k, iv, lsem):
        base = s * EPT + k * CHUNK
        pltpu.async_copy(ei_ref.at[c, pl.ds(base, CHUNK)], iv, lsem)

    def add_chunk(k, iv, lsem, ssem):
        base = s * EPT + k * CHUNK
        pltpu.make_async_copy(ei_ref.at[c, pl.ds(base, CHUNK)], iv,
                              lsem).wait()
        pltpu.async_copy(ones_v, hist_sh.at[iv], ssem, add=True)

    def wait_add(iv, ssem):
        pltpu.make_async_copy(ones_v, hist_sh.at[iv], ssem).wait()

    load_idx(0, idx_v, lsem_a)
    load_idx(1, idx_b, lsem_b)

    def pair_step(r, _):
        k = r * 2
        add_chunk(k, idx_v, lsem_a, ssem_a)
        add_chunk(k + 1, idx_b, lsem_b, ssem_b)
        wait_add(idx_v, ssem_a)

        @pl.when(k + 2 < NCHUNKS)
        def _():
            load_idx(k + 2, idx_v, lsem_a)

        wait_add(idx_b, ssem_b)

        @pl.when(k + 3 < NCHUNKS)
        def _():
            load_idx(k + 3, idx_b, lsem_b)

        return 0

    lax.fori_loop(0, NCHUNKS // 2, pair_step, 0)
    plsc.subcore_barrier()

    pltpu.sync_copy(hist_sh.at[pl.ds(s * ROWS_PT, ROWS_PT)],
                    deg_ref.at[c, pl.ds(s * ROWS_PT, ROWS_PT)])


@functools.partial(
    pl.kernel,
    out_type=jax.ShapeDtypeStruct((2, NPAD), jnp.float32),
    mesh=plsc.VectorSubcoreMesh(core_axis_name="c", subcore_axis_name="s"),
    scratch_types=[
        pltpu.VMEM((CHUNK,), jnp.int32),
        pltpu.VMEM((CHUNK,), jnp.int32),
        pltpu.VMEM((ROWS_PT,), jnp.float32),
        pltpu.VMEM((CHUNK,), jnp.float32),
        pltpu.SemaphoreType.DMA,
        pltpu.SemaphoreType.DMA,
        pltpu.SemaphoreType.DMA,
        pltpu.SemaphoreType.DMA,
        pltpu.VMEM_SHARED((NPAD,), jnp.float32),
    ],
)
def _degrees(ei_ref, deg_ref, idx_v, idx_b, zb_v, ones_v,
             lsem_a, lsem_b, ssem_a, ssem_b, hist_sh):
    _degrees_body(ei_ref, deg_ref, idx_v, idx_b, zb_v, ones_v,
                  lsem_a, lsem_b, ssem_a, ssem_b, hist_sh)


def _gs_body(h2_ref, gidx_ref, didx_ref, agg_ref,
             gi_a, di_a, di_b, rows_a, rows_b, zb_v, sem_a, sem_b,
             dsem_a, dsem_b, agg_sh):
    c = lax.axis_index("c")
    s = lax.axis_index("s")

    pltpu.sync_copy(gidx_ref.at[c, s], gi_a)

    def start_gather(k, di_v, rows_v, sem, dsem):
        base = s * EPT + k * CHUNK
        pltpu.async_copy(didx_ref.at[pl.ds(base, CHUNK)], di_v, dsem)
        pltpu.async_copy(h2_ref.at[gi_a.at[k]], rows_v, sem)

    def finish_chunk(k, di_v, rows_v, sem, dsem):
        base = s * EPT + k * CHUNK
        pltpu.make_async_copy(didx_ref.at[pl.ds(base, CHUNK)], di_v,
                              dsem).wait()
        pltpu.make_async_copy(h2_ref.at[gi_a.at[k]], rows_v, sem).wait()
        pltpu.sync_copy(rows_v, agg_sh.at[di_v], add=True)

    start_gather(0, di_a, rows_a, sem_a, dsem_a)
    start_gather(1, di_b, rows_b, sem_b, dsem_b)

    z16 = jnp.zeros((16,), jnp.float32)

    def zrow(r, _):
        for j in range(DH // 16):
            zb_v[r, pl.ds(16 * j, 16)] = z16
        return 0

    lax.fori_loop(0, 40, zrow, 0)

    def zcopy(i, _):
        pltpu.sync_copy(
            zb_v, agg_sh.at[pl.ds(s * ROWS_PT + i * 40, 40)])
        return 0

    lax.fori_loop(0, ROWS_PT // 40, zcopy, 0)
    plsc.subcore_barrier()

    def pair_round(r, _):
        k = r * 2
        finish_chunk(k, di_a, rows_a, sem_a, dsem_a)

        @pl.when(k + 2 < NCHUNKS)
        def _():
            start_gather(k + 2, di_a, rows_a, sem_a, dsem_a)

        finish_chunk(k + 1, di_b, rows_b, sem_b, dsem_b)

        @pl.when(k + 3 < NCHUNKS)
        def _():
            start_gather(k + 3, di_b, rows_b, sem_b, dsem_b)

        return 0

    lax.fori_loop(0, NCHUNKS // 2, pair_round, 0)
    plsc.subcore_barrier()

    pltpu.sync_copy(agg_sh.at[pl.ds(s * ROWS_PT, ROWS_PT)],
                    agg_ref.at[c, pl.ds(s * ROWS_PT, ROWS_PT)])


@functools.partial(
    pl.kernel,
    out_type=jax.ShapeDtypeStruct((2, NPAD, DH), jnp.float32),
    mesh=plsc.VectorSubcoreMesh(core_axis_name="c", subcore_axis_name="s"),
    scratch_types=[
        pltpu.VMEM((NCHUNKS, CHUNK), jnp.int32),
        pltpu.VMEM((CHUNK,), jnp.int32),
        pltpu.VMEM((CHUNK,), jnp.int32),
        pltpu.VMEM((CHUNK, DH), jnp.float32),
        pltpu.VMEM((CHUNK, DH), jnp.float32),
        pltpu.VMEM((40, DH), jnp.float32),
        pltpu.SemaphoreType.DMA,
        pltpu.SemaphoreType.DMA,
        pltpu.SemaphoreType.DMA,
        pltpu.SemaphoreType.DMA,
        pltpu.VMEM_SHARED((NPAD, DH), jnp.float32),
    ],
)
def _gather_scatter(h2_ref, gidx_ref, didx_ref, agg_ref,
                    gi_a, di_a, di_b, rows_a, rows_b, zb_v, sem_a, sem_b,
                    dsem_a, dsem_b, agg_sh):
    _gs_body(h2_ref, gidx_ref, didx_ref, agg_ref, gi_a, di_a, di_b,
             rows_a, rows_b, zb_v, sem_a, sem_b, dsem_a, dsem_b, agg_sh)


def _matmul_scale_kernel(x_ref, w_ref, deg_ref, out_ref):
    deg = deg_ref[...]
    norm = jnp.where(deg > 0.0,
                     lax.rsqrt(jnp.maximum(deg, 1e-12)),
                     0.0)
    h = jnp.dot(x_ref[...], w_ref[...],
                preferred_element_type=jnp.float32) * norm
    out_ref[0] = h[:, :DH]
    out_ref[1] = h[:, DH:]


def _finalize_kernel(agg_ref, deg_ref, b_ref, out_ref):
    deg = deg_ref[...]
    norm = jnp.where(deg > 0.0,
                     lax.rsqrt(jnp.maximum(deg, 1e-12)),
                     0.0)
    agg = jnp.concatenate(
        [agg_ref[0, :N_NODES, :], agg_ref[1, :N_NODES, :]], axis=1)
    out_ref[...] = agg * norm + b_ref[...]


def kernel(inputs, edge_index, W, b):
    src = edge_index[0]
    dst = edge_index[1]

    pad = EPAD - N_EDGES
    pad_bin = jnp.full((pad,), NPAD - 1, jnp.int32)
    ei_deg = jnp.stack([jnp.concatenate([src, pad_bin]),
                        jnp.concatenate([dst, pad_bin])])
    pad_zero = jnp.zeros((pad,), jnp.int32)
    gidx = jnp.stack([jnp.concatenate([src, pad_zero]),
                      jnp.concatenate([src + N_NODES, pad_zero])])
    gidx = gidx.reshape(2, 16, NCHUNKS, CHUNK)
    didx = jnp.concatenate([dst, pad_bin])

    deg = _degrees(ei_deg)

    h2 = pl.pallas_call(
        _matmul_scale_kernel,
        out_shape=jax.ShapeDtypeStruct((2, N_NODES, DH), jnp.float32),
    )(inputs, W, deg[0, :N_NODES].reshape(N_NODES, 1))
    h2 = h2.reshape(2 * N_NODES, DH)

    agg = _gather_scatter(h2, gidx, didx)

    h1 = pl.pallas_call(
        _finalize_kernel,
        out_shape=jax.ShapeDtypeStruct((N_NODES, D), jnp.float32),
    )(agg, deg[1, :N_NODES].reshape(N_NODES, 1), b.reshape(1, D))
    return (h1, h1)

# --- scband reference (transcript-rebuilt; emitter-appended) ---
"""Pipeline reference for scband-gcn-1-layer-10574209483122 (READ-ONLY COPY).

The authoritative reference and input builder live on the scoring server;
editing this copy changes nothing except your own understanding.
"""

import jax, jax.numpy as jnp
import numpy as np

N = 10000
E = 160000
D_IN = 256
D_OUT = 256


def setup_inputs(seed: int = 0) -> dict:
    key = jax.random.key(seed)
    k1, k2, k3 = jax.random.split(key, 3)
    inputs = jax.random.normal(k1, (N, D_IN), dtype=jnp.float32)
    edge_index = jax.random.randint(k2, (2, E), 0, N, dtype=jnp.int32)
    # GraphConv learned parameters (glorot-style init) per init_kwargs
    W = jax.random.normal(k3, (D_IN, D_OUT), dtype=jnp.float32) * (1.0 / np.sqrt(D_IN))
    b = jnp.zeros((D_OUT,), dtype=jnp.float32)
    return {"inputs": inputs, "edge_index": edge_index, "W": W, "b": b}


def reference(inputs, edge_index, W, b):
    # DGL GraphConv with norm='both', weight=True, bias=True, no activation:
    # h = D_dst^{-1/2} A (D_src^{-1/2} x) W + b
    src = edge_index[0]
    dst = edge_index[1]
    ones = jnp.ones((src.shape[0],), dtype=jnp.float32)
    deg_out = jax.ops.segment_sum(ones, src, num_segments=N)
    deg_in = jax.ops.segment_sum(ones, dst, num_segments=N)
    norm_src = jnp.where(deg_out > 0, jax.lax.rsqrt(jnp.maximum(deg_out, 1e-12)), 0.0)
    norm_dst = jnp.where(deg_in > 0, jax.lax.rsqrt(jnp.maximum(deg_in, 1e-12)), 0.0)
    h = inputs * norm_src[:, None]
    # in_feats >= out_feats: DGL multiplies by W first, then aggregates
    h = h @ W
    msg = jnp.take(h, src, axis=0)
    agg = jax.ops.segment_sum(msg, dst, num_segments=N)
    h1 = agg * norm_dst[:, None] + b
    return (h1, h1)

if __name__ == "__main__":
    import jax
    _d = setup_inputs()
    print(jax.jit(kernel)(*tuple(_d.values())))

</pallas_src>

<mosaic_0001>
#map = affine_map<(d0, d1) -> (0, 0)>
#map1 = affine_map<(d0, d1) -> (0, 0, 0, 0)>
#map2 = affine_map<(d0, d1) -> (0)>
#map3 = affine_map<(d0, d1) -> (0, 0, 0)>
module attributes {stable_mosaic.version = 14 : i64} {
  func.func @_gather_scatter(%arg0: i32, %arg1: i32, %arg2: memref<20000x128xf32, #tpu.memory_space<hbm>>, %arg3: memref<2x16x80x128xi32, #tpu.memory_space<hbm>>, %arg4: memref<163840xi32, #tpu.memory_space<hbm>>, %arg5: memref<2x10240x128xf32, #tpu.memory_space<hbm>>, %arg6: memref<80x128xi32, #tpu.memory_space<vmem>>, %arg7: memref<128xi32, #tpu.memory_space<vmem>>, %arg8: memref<128xi32, #tpu.memory_space<vmem>>, %arg9: memref<128x128xf32, #tpu.memory_space<vmem>>, %arg10: memref<128x128xf32, #tpu.memory_space<vmem>>, %arg11: memref<40x128xf32, #tpu.memory_space<vmem>>, %arg12: memref<!tpu.dma_semaphore, #tpu.memory_space<semaphore_mem>>, %arg13: memref<!tpu.dma_semaphore, #tpu.memory_space<semaphore_mem>>, %arg14: memref<!tpu.dma_semaphore, #tpu.memory_space<semaphore_mem>>, %arg15: memref<!tpu.dma_semaphore, #tpu.memory_space<semaphore_mem>>, %arg16: memref<10240x128xf32, #tpu.memory_space<vmem_shared>>) attributes {dimension_semantics = [#tpu.dimension_semantics<core_parallel>, #tpu.dimension_semantics<subcore_parallel>], iteration_bounds = array<i64: 2, 16>, scalar_prefetch = 0 : i64, scratch_operands = 11 : i64, tpu.core_type = #tpu.core_type<sc_vector_subcore>, window_params = [{transform_indices = #map}, {transform_indices = #map1}, {transform_indices = #map2}, {transform_indices = #map3}]} {
    "tpu.region"() ({
      %run_scoped3A = tpu.sem_alloc : memref<!tpu.dma_semaphore, #tpu.memory_space<semaphore_mem>>
      %dma_start3A_49 = arith.constant 0 : i32
      %dma_start3A_50 = arith.constant 0 : i32
      %dma_start3A_51 = tpu.memref_slice %arg3[%arg0, %arg1, %dma_start3A_49, %dma_start3A_50] : memref<2x16x80x128xi32, #tpu.memory_space<hbm>> -> memref<1x1x80x128xi32, #tpu.memory_space<hbm>>
      %dma_start3A_52 = tpu.memref_squeeze %dma_start3A_51 : memref<1x1x80x128xi32, #tpu.memory_space<hbm>> -> memref<80x128xi32, #tpu.memory_space<hbm>>
      %dma_start3A_53 = arith.constant 0 : i32
      %dma_start3A_54 = arith.constant 0 : i32
      %dma_start3A_55 = tpu.memref_slice %arg3[%arg0, %arg1, %dma_start3A_53, %dma_start3A_54] : memref<2x16x80x128xi32, #tpu.memory_space<hbm>> -> memref<1x1x80x128xi32, #tpu.memory_space<hbm>>
      %dma_start3A_56 = tpu.memref_squeeze %dma_start3A_55 : memref<1x1x80x128xi32, #tpu.memory_space<hbm>> -> memref<80x128xi32, #tpu.memory_space<hbm>>
      tpu.enqueue_dma source(%dma_start3A_56 : memref<80x128xi32, #tpu.memory_space<hbm>>) target(%arg6 : memref<80x128xi32, #tpu.memory_space<vmem>>) target_semaphore(%run_scoped3A : memref<!tpu.dma_semaphore, #tpu.memory_space<semaphore_mem>>)
      %dma_wait3A = arith.constant 0 : i32
      %dma_wait3A_57 = arith.constant 0 : i32
      %dma_wait3A_58 = tpu.memref_slice %arg3[%arg0, %arg1, %dma_wait3A, %dma_wait3A_57] : memref<2x16x80x128xi32, #tpu.memory_space<hbm>> -> memref<1x1x80x128xi32, #tpu.memory_space<hbm>>
      %dma_wait3A_59 = tpu.memref_squeeze %dma_wait3A_58 : memref<1x1x80x128xi32, #tpu.memory_space<hbm>> -> memref<80x128xi32, #tpu.memory_space<hbm>>
      %dma_wait3A_60 = arith.constant 0 : i32
      %dma_wait3A_61 = arith.constant 0 : i32
      %dma_wait3A_62 = tpu.memref_slice %arg3[%arg0, %arg1, %dma_wait3A_60, %dma_wait3A_61] : memref<2x16x80x128xi32, #tpu.memory_space<hbm>> -> memref<1x1x80x128xi32, #tpu.memory_space<hbm>>
      %dma_wait3A_63 = tpu.memref_squeeze %dma_wait3A_62 : memref<1x1x80x128xi32, #tpu.memory_space<hbm>> -> memref<80x128xi32, #tpu.memory_space<hbm>>
      tpu.wait_dma2 semaphore(%run_scoped3A : memref<!tpu.dma_semaphore, #tpu.memory_space<semaphore_mem>>) src(%dma_wait3A_63 : memref<80x128xi32, #tpu.memory_space<hbm>>) dst(%arg6 : memref<80x128xi32, #tpu.memory_space<vmem>>)
      tpu.yield
    }) : () -> ()
    %mul3A = arith.constant 10240 : i32
    %mul3A_0 = arith.muli %arg1, %mul3A : i32
    %add3A = arith.constant 0 : i32
    %add3A_1 = arith.addi %mul3A_0, %add3A : i32
    %dma_start3A = tpu.memref_slice %arg4[%add3A_1] : memref<163840xi32, #tpu.memory_space<hbm>> -> memref<128xi32, #tpu.memory_space<hbm>>
    %dma_start3A_2 = tpu.memref_slice %arg4[%add3A_1] : memref<163840xi32, #tpu.memory_space<hbm>> -> memref<128xi32, #tpu.memory_space<hbm>>
    tpu.enqueue_dma source(%dma_start3A_2 : memref<128xi32, #tpu.memory_space<hbm>>) target(%arg7 : memref<128xi32, #tpu.memory_space<vmem>>) target_semaphore(%arg14 : memref<!tpu.dma_semaphore, #tpu.memory_space<semaphore_mem>>)
    %dma_start3A_3 = arith.constant 0 : i32
    %dma_start3A_4 = arith.constant 0 : i32
    %dma_start3A_5 = tpu.memref_slice %arg6[%dma_start3A_3, %dma_start3A_4] : memref<80x128xi32, #tpu.memory_space<vmem>> -> memref<1x128xi32, #tpu.memory_space<vmem>>
    %dma_start3A_6 = tpu.memref_squeeze %dma_start3A_5 : memref<1x128xi32, #tpu.memory_space<vmem>> -> memref<128xi32, #tpu.memory_space<vmem>>
    %dma_start3A_7 = arith.constant 0 : i32
    %dma_start3A_8 = arith.constant 0 : i32
    %dma_start3A_9 = tpu.memref_slice %arg2[%dma_start3A_7, %dma_start3A_8] : memref<20000x128xf32, #tpu.memory_space<hbm>> -> memref<20000x128xf32, #tpu.memory_space<hbm>>
    tpu.enqueue_indirect_dma source(%dma_start3A_9 : memref<20000x128xf32, #tpu.memory_space<hbm>>) target(%arg9 : memref<128x128xf32, #tpu.memory_space<vmem>>) offsets(%dma_start3A_6 : memref<128xi32, #tpu.memory_space<vmem>>) semaphore(%arg12 : memref<!tpu.dma_semaphore, #tpu.memory_space<semaphore_mem>>)
    %mul3A_10 = arith.constant 10240 : i32
    %mul3A_11 = arith.muli %arg1, %mul3A_10 : i32
    %add3A_12 = arith.constant 128 : i32
    %add3A_13 = arith.addi %mul3A_11, %add3A_12 : i32
    %dma_start3A_14 = tpu.memref_slice %arg4[%add3A_13] : memref<163840xi32, #tpu.memory_space<hbm>> -> memref<128xi32, #tpu.memory_space<hbm>>
    %dma_start3A_15 = tpu.memref_slice %arg4[%add3A_13] : memref<163840xi32, #tpu.memory_space<hbm>> -> memref<128xi32, #tpu.memory_space<hbm>>
    tpu.enqueue_dma source(%dma_start3A_15 : memref<128xi32, #tpu.memory_space<hbm>>) target(%arg8 : memref<128xi32, #tpu.memory_space<vmem>>) target_semaphore(%arg15 : memref<!tpu.dma_semaphore, #tpu.memory_space<semaphore_mem>>)
    %dma_start3A_16 = arith.constant 1 : i32
    %dma_start3A_17 = arith.constant 0 : i32
    %dma_start3A_18 = tpu.memref_slice %arg6[%dma_start3A_16, %dma_start3A_17] : memref<80x128xi32, #tpu.memory_space<vmem>> -> memref<1x128xi32, #tpu.memory_space<vmem>>
    %dma_start3A_19 = tpu.memref_squeeze %dma_start3A_18 : memref<1x128xi32, #tpu.memory_space<vmem>> -> memref<128xi32, #tpu.memory_space<vmem>>
    %dma_start3A_20 = arith.constant 0 : i32
    %dma_start3A_21 = arith.constant 0 : i32
    %dma_start3A_22 = tpu.memref_slice %arg2[%dma_start3A_20, %dma_start3A_21] : memref<20000x128xf32, #tpu.memory_space<hbm>> -> memref<20000x128xf32, #tpu.memory_space<hbm>>
    tpu.enqueue_indirect_dma source(%dma_start3A_22 : memref<20000x128xf32, #tpu.memory_space<hbm>>) target(%arg10 : memref<128x128xf32, #tpu.memory_space<vmem>>) offsets(%dma_start3A_19 : memref<128xi32, #tpu.memory_space<vmem>>) semaphore(%arg13 : memref<!tpu.dma_semaphore, #tpu.memory_space<semaphore_mem>>)
    %broadcast_in_dim3A = arith.constant 0.000000e+00 : f32
    %broadcast_in_dim3A_23 = vector.broadcast %broadcast_in_dim3A : f32 to vector<16xf32>
    %scan3A = arith.constant 0 : i32
    %scan3A_24 = arith.constant 0 : i32
    %scan3A_25 = arith.constant 40 : i32
    %scan3A_26 = arith.addi %scan3A_24, %scan3A_25 : i32
    %scan3A_27 = arith.constant 1 : i32
    %scan3A_28 = scf.for %scan3A_49 = %scan3A_24 to %scan3A_26 step %scan3A_27 iter_args(%scan3A_50 = %scan3A) -> (i32)  : i32 {
      %swap3A = arith.index_cast %scan3A_49 : i32 to index
      %swap3A_51 = arith.constant 0 : index
      %swap3A_52 = tpu.vector_load %arg11[%swap3A, %swap3A_51] {strides = array<i32>} : memref<40x128xf32, #tpu.memory_space<vmem>>, vector<1x16xf32>,
      %swap3A_53 = vector.shape_cast %swap3A_52 : vector<1x16xf32> to vector<16xf32>
      %swap3A_54 = vector.shape_cast %broadcast_in_dim3A_23 : vector<16xf32> to vector<1x16xf32>
      tpu.vector_store %arg11[%swap3A, %swap3A_51], %swap3A_54 {strides = array<i32>} : memref<40x128xf32, #tpu.memory_space<vmem>>, vector<1x16xf32>,
      %swap3A_55 = arith.index_cast %scan3A_49 : i32 to index
      %swap3A_56 = arith.constant 16 : index
      %swap3A_57 = tpu.vector_load %arg11[%swap3A_55, %swap3A_56] {strides = array<i32>} : memref<40x128xf32, #tpu.memory_space<vmem>>, vector<1x16xf32>,
      %swap3A_58 = vector.shape_cast %swap3A_57 : vector<1x16xf32> to vector<16xf32>
      %swap3A_59 = vector.shape_cast %broadcast_in_dim3A_23 : vector<16xf32> to vector<1x16xf32>
      tpu.vector_store %arg11[%swap3A_55, %swap3A_56], %swap3A_59 {strides = array<i32>} : memref<40x128xf32, #tpu.memory_space<vmem>>, vector<1x16xf32>,
      %swap3A_60 = arith.index_cast %scan3A_49 : i32 to index
      %swap3A_61 = arith.constant 32 : index
      %swap3A_62 = tpu.vector_load %arg11[%swap3A_60, %swap3A_61] {strides = array<i32>} : memref<40x128xf32, #tpu.memory_space<vmem>>, vector<1x16xf32>,
      %swap3A_63 = vector.shape_cast %swap3A_62 : vector<1x16xf32> to vector<16xf32>
      %swap3A_64 = vector.shape_cast %broadcast_in_dim3A_23 : vector<16xf32> to vector<1x16xf32>
      tpu.vector_store %arg11[%swap3A_60, %swap3A_61], %swap3A_64 {strides = array<i32>} : memref<40x128xf32, #tpu.memory_space<vmem>>, vector<1x16xf32>,
      %swap3A_65 = arith.index_cast %scan3A_49 : i32 to index
      %swap3A_66 = arith.constant 48 : index
      %swap3A_67 = tpu.vector_load %arg11[%swap3A_65, %swap3A_66] {strides = array<i32>} : memref<40x128xf32, #tpu.memory_space<vmem>>, vector<1x16xf32>,
      %swap3A_68 = vector.shape_cast %swap3A_67 : vector<1x16xf32> to vector<16xf32>
      %swap3A_69 = vector.shape_cast %broadcast_in_dim3A_23 : vector<16xf32> to vector<1x16xf32>
      tpu.vector_store %arg11[%swap3A_65, %swap3A_66], %swap3A_69 {strides = array<i32>} : memref<40x128xf32, #tpu.memory_space<vmem>>, vector<1x16xf32>,
      %swap3A_70 = arith.index_cast %scan3A_49 : i32 to index
      %swap3A_71 = arith.constant 64 : index
      %swap3A_72 = tpu.vector_load %arg11[%swap3A_70, %swap3A_71] {strides = array<i32>} : memref<40x128xf32, #tpu.memory_space<vmem>>, vector<1x16xf32>,
      %swap3A_73 = vector.shape_cast %swap3A_72 : vector<1x16xf32> to vector<16xf32>
      %swap3A_74 = vector.shape_cast %broadcast_in_dim3A_23 : vector<16xf32> to vector<1x16xf32>
      tpu.vector_store %arg11[%swap3A_70, %swap3A_71], %swap3A_74 {strides = array<i32>} : memref<40x128xf32, #tpu.memory_space<vmem>>, vector<1x16xf32>,
      %swap3A_75 = arith.index_cast %scan3A_49 : i32 to index
      %swap3A_76 = arith.constant 80 : index
      %swap3A_77 = tpu.vector_load %arg11[%swap3A_75, %swap3A_76] {strides = array<i32>} : memref<40x128xf32, #tpu.memory_space<vmem>>, vector<1x16xf32>,
      %swap3A_78 = vector.shape_cast %swap3A_77 : vector<1x16xf32> to vector<16xf32>
      %swap3A_79 = vector.shape_cast %broadcast_in_dim3A_23 : vector<16xf32> to vector<1x16xf32>
      tpu.vector_store %arg11[%swap3A_75, %swap3A_76], %swap3A_79 {strides = array<i32>} : memref<40x128xf32, #tpu.memory_space<vmem>>, vector<1x16xf32>,
      %swap3A_80 = arith.index_cast %scan3A_49 : i32 to index
      %swap3A_81 = arith.constant 96 : index
      %swap3A_82 = tpu.vector_load %arg11[%swap3A_80, %swap3A_81] {strides = array<i32>} : memref<40x128xf32, #tpu.memory_space<vmem>>, vector<1x16xf32>,
      %swap3A_83 = vector.shape_cast %swap3A_82 : vector<1x16xf32> to vector<16xf32>
      %swap3A_84 = vector.shape_cast %broadcast_in_dim3A_23 : vector<16xf32> to vector<1x16xf32>
      tpu.vector_store %arg11[%swap3A_80, %swap3A_81], %swap3A_84 {strides = array<i32>} : memref<40x128xf32, #tpu.memory_space<vmem>>, vector<1x16xf32>,
      %swap3A_85 = arith.index_cast %scan3A_49 : i32 to index
      %swap3A_86 = arith.constant 112 : index
      %swap3A_87 = tpu.vector_load %arg11[%swap3A_85, %swap3A_86] {strides = array<i32>} : memref<40x128xf32, #tpu.memory_space<vmem>>, vector<1x16xf32>,
      %swap3A_88 = vector.shape_cast %swap3A_87 : vector<1x16xf32> to vector<16xf32>
      %swap3A_89 = vector.shape_cast %broadcast_in_dim3A_23 : vector<16xf32> to vector<1x16xf32>
      tpu.vector_store %arg11[%swap3A_85, %swap3A_86], %swap3A_89 {strides = array<i32>} : memref<40x128xf32, #tpu.memory_space<vmem>>, vector<1x16xf32>,
      %scan3A_90 = arith.constant 0 : i32
      scf.yield %scan3A_90 : i32
    }
    %scan3A_29 = arith.constant 40 : i32
    %scan3A_30 = arith.constant 0 : i32
    %scan3A_31 = arith.constant 0 : i32
    %scan3A_32 = arith.constant 16 : i32
    %scan3A_33 = arith.addi %scan3A_31, %scan3A_32 : i32
    %scan3A_34 = arith.constant 1 : i32
    %scan3A_35 = scf.for %scan3A_49 = %scan3A_31 to %scan3A_33 step %scan3A_34 iter_args(%scan3A_50 = %scan3A_30) -> (i32)  : i32 {
      %mul3A_51 = arith.constant 640 : i32
      %mul3A_52 = arith.muli %arg1, %mul3A_51 : i32
      %mul3A_53 = arith.constant 40 : i32
      %mul3A_54 = arith.muli %scan3A_49, %mul3A_53 : i32
      %add3A_55 = arith.addi %mul3A_52, %mul3A_54 : i32
      "tpu.region"() ({
        %run_scoped3A = tpu.sem_alloc : memref<!tpu.dma_semaphore, #tpu.memory_space<semaphore_mem>>
        %dma_start3A_57 = arith.constant 0 : i32
        %dma_start3A_58 = tpu.memref_slice %arg16[%add3A_55, %dma_start3A_57] : memref<10240x128xf32, #tpu.memory_space<vmem_shared>> -> memref<40x128xf32, #tpu.memory_space<vmem_shared>>
        %dma_start3A_59 = arith.constant 0 : i32
        %dma_start3A_60 = tpu.memref_slice %arg16[%add3A_55, %dma_start3A_59] : memref<10240x128xf32, #tpu.memory_space<vmem_shared>> -> memref<40x128xf32, #tpu.memory_space<vmem_shared>>
        tpu.enqueue_dma source(%arg11 : memref<40x128xf32, #tpu.memory_space<vmem>>) target(%dma_start3A_60 : memref<40x128xf32, #tpu.memory_space<vmem_shared>>) target_semaphore(%run_scoped3A : memref<!tpu.dma_semaphore, #tpu.memory_space<semaphore_mem>>)
        %dma_wait3A = arith.constant 0 : i32
        %dma_wait3A_61 = tpu.memref_slice %arg16[%add3A_55, %dma_wait3A] : memref<10240x128xf32, #tpu.memory_space<vmem_shared>> -> memref<40x128xf32, #tpu.memory_space<vmem_shared>>
        %dma_wait3A_62 = arith.constant 0 : i32
        %dma_wait3A_63 = tpu.memref_slice %arg16[%add3A_55, %dma_wait3A_62] : memref<10240x128xf32, #tpu.memory_space<vmem_shared>> -> memref<40x128xf32, #tpu.memory_space<vmem_shared>>
        tpu.wait_dma2 semaphore(%run_scoped3A : memref<!tpu.dma_semaphore, #tpu.memory_space<semaphore_mem>>) src(%arg11 : memref<40x128xf32, #tpu.memory_space<vmem>>) dst(%dma_wait3A_63 : memref<40x128xf32, #tpu.memory_space<vmem_shared>>)
        tpu.yield
      }) : () -> ()
      %scan3A_56 = arith.constant 0 : i32
      scf.yield %scan3A_56 : i32
    }
    %scan3A_36 = arith.constant 16 : i32
    %barrier3A = arith.constant 0 : index
    tpu.barrier barrier_id(%barrier3A)
    %scan3A_37 = arith.constant 0 : i32
    %scan3A_38 = arith.constant 0 : i32
    %scan3A_39 = arith.constant 40 : i32
    %scan3A_40 = arith.addi %scan3A_38, %scan3A_39 : i32
    %scan3A_41 = arith.constant 1 : i32
    %scan3A_42 = scf.for %scan3A_49 = %scan3A_38 to %scan3A_40 step %scan3A_41 iter_args(%scan3A_50 = %scan3A_37) -> (i32)  : i32 {
      %mul3A_51 = arith.constant 2 : i32
      %mul3A_52 = arith.muli %scan3A_49, %mul3A_51 : i32
      %mul3A_53 = arith.constant 10240 : i32
      %mul3A_54 = arith.muli %arg1, %mul3A_53 : i32
      %mul3A_55 = arith.constant 128 : i32
      %mul3A_56 = arith.muli %mul3A_52, %mul3A_55 : i32
      %add3A_57 = arith.addi %mul3A_54, %mul3A_56 : i32
      %dma_wait3A = tpu.memref_slice %arg4[%add3A_57] : memref<163840xi32, #tpu.memory_space<hbm>> -> memref<128xi32, #tpu.memory_space<hbm>>
      %dma_wait3A_58 = tpu.memref_slice %arg4[%add3A_57] : memref<163840xi32, #tpu.memory_space<hbm>> -> memref<128xi32, #tpu.memory_space<hbm>>
      tpu.wait_dma2 semaphore(%arg14 : memref<!tpu.dma_semaphore, #tpu.memory_space<semaphore_mem>>) src(%dma_wait3A_58 : memref<128xi32, #tpu.memory_space<hbm>>) dst(%arg7 : memref<128xi32, #tpu.memory_space<vmem>>)
      %dma_wait3A_59 = arith.constant 0 : i32
      %dma_wait3A_60 = tpu.memref_slice %arg6[%mul3A_52, %dma_wait3A_59] : memref<80x128xi32, #tpu.memory_space<vmem>> -> memref<1x128xi32, #tpu.memory_space<vmem>>
      %dma_wait3A_61 = tpu.memref_squeeze %dma_wait3A_60 : memref<1x128xi32, #tpu.memory_space<vmem>> -> memref<128xi32, #tpu.memory_space<vmem>>
      %dma_wait3A_62 = arith.constant 0 : i32
      %dma_wait3A_63 = arith.constant 0 : i32
      %dma_wait3A_64 = tpu.memref_slice %arg2[%dma_wait3A_62, %dma_wait3A_63] : memref<20000x128xf32, #tpu.memory_space<hbm>> -> memref<20000x128xf32, #tpu.memory_space<hbm>>
      tpu.wait_indirect_dma semaphore(%arg12 : memref<!tpu.dma_semaphore, #tpu.memory_space<semaphore_mem>>) src(%dma_wait3A_64 : memref<20000x128xf32, #tpu.memory_space<hbm>>) dst(%arg9 : memref<128x128xf32, #tpu.memory_space<vmem>>)
      "tpu.region"() ({
        %run_scoped3A = tpu.sem_alloc : memref<!tpu.dma_semaphore, #tpu.memory_space<semaphore_mem>>
        %dma_start3A_92 = arith.constant 0 : i32
        %dma_start3A_93 = arith.constant 0 : i32
        %dma_start3A_94 = tpu.memref_slice %arg16[%dma_start3A_92, %dma_start3A_93] : memref<10240x128xf32, #tpu.memory_space<vmem_shared>> -> memref<10240x128xf32, #tpu.memory_space<vmem_shared>>
        tpu.enqueue_indirect_dma source(%arg9 : memref<128x128xf32, #tpu.memory_space<vmem>>) target(%dma_start3A_94 : memref<10240x128xf32, #tpu.memory_space<vmem_shared>>) offsets(%arg7 : memref<128xi32, #tpu.memory_space<vmem>>) semaphore(%run_scoped3A : memref<!tpu.dma_semaphore, #tpu.memory_space<semaphore_mem>>) {add = true}
        %dma_wait3A_95 = arith.constant 0 : i32
        %dma_wait3A_96 = arith.constant 0 : i32
        %dma_wait3A_97 = tpu.memref_slice %arg16[%dma_wait3A_95, %dma_wait3A_96] : memref<10240x128xf32, #tpu.memory_space<vmem_shared>> -> memref<10240x128xf32, #tpu.memory_space<vmem_shared>>
        tpu.wait_indirect_dma semaphore(%run_scoped3A : memref<!tpu.dma_semaphore, #tpu.memory_space<semaphore_mem>>) src(%arg9 : memref<128x128xf32, #tpu.memory_space<vmem>>) dst(%dma_wait3A_97 : memref<10240x128xf32, #tpu.memory_space<vmem_shared>>)
        tpu.yield
      }) : () -> ()
      %add3A_65 = arith.constant 2 : i32
      %add3A_66 = arith.addi %mul3A_52, %add3A_65 : i32
      %lt3A = arith.constant 80 : i32
      %lt3A_67 = arith.cmpi slt, %add3A_66, %lt3A : i32
      %convert_element_type3A = arith.extui %lt3A_67 : i1 to i32
      %cond3A = arith.constant 0 : i32
      %cond3A_68 = arith.cmpi ne, %convert_element_type3A, %cond3A : i32
      scf.if %cond3A_68 {
        %add3A_92 = arith.constant 2 : i32
        %add3A_93 = arith.addi %mul3A_52, %add3A_92 : i32
        %mul3A_94 = arith.constant 10240 : i32
        %mul3A_95 = arith.muli %arg1, %mul3A_94 : i32
        %mul3A_96 = arith.constant 128 : i32
        %mul3A_97 = arith.muli %add3A_93, %mul3A_96 : i32
        %add3A_98 = arith.addi %mul3A_95, %mul3A_97 : i32
        %dma_start3A_99 = tpu.memref_slice %arg4[%add3A_98] : memref<163840xi32, #tpu.memory_space<hbm>> -> memref<128xi32, #tpu.memory_space<hbm>>
        %dma_start3A_100 = tpu.memref_slice %arg4[%add3A_98] : memref<163840xi32, #tpu.memory_space<hbm>> -> memref<128xi32, #tpu.memory_space<hbm>>
        tpu.enqueue_dma source(%dma_start3A_100 : memref<128xi32, #tpu.memory_space<hbm>>) target(%arg7 : memref<128xi32, #tpu.memory_space<vmem>>) target_semaphore(%arg14 : memref<!tpu.dma_semaphore, #tpu.memory_space<semaphore_mem>>)
        %dma_start3A_101 = arith.constant 0 : i32
        %dma_start3A_102 = tpu.memref_slice %arg6[%add3A_93, %dma_start3A_101] : memref<80x128xi32, #tpu.memory_space<vmem>> -> memref<1x128xi32, #tpu.memory_space<vmem>>
        %dma_start3A_103 = tpu.memref_squeeze %dma_start3A_102 : memref<1x128xi32, #tpu.memory_space<vmem>> -> memref<128xi32, #tpu.memory_space<vmem>>
        %dma_start3A_104 = arith.constant 0 : i32
        %dma_start3A_105 = arith.constant 0 : i32
        %dma_start3A_106 = tpu.memref_slice %arg2[%dma_start3A_104, %dma_start3A_105] : memref<20000x128xf32, #tpu.memory_space<hbm>> -> memref<20000x128xf32, #tpu.memory_space<hbm>>
        tpu.enqueue_indirect_dma source(%dma_start3A_106 : memref<20000x128xf32, #tpu.memory_space<hbm>>) target(%arg9 : memref<128x128xf32, #tpu.memory_space<vmem>>) offsets(%dma_start3A_103 : memref<128xi32, #tpu.memory_space<vmem>>) semaphore(%arg12 : memref<!tpu.dma_semaphore, #tpu.memory_space<semaphore_mem>>)
      } else {
      }
      %add3A_69 = arith.constant 1 : i32
      %add3A_70 = arith.addi %mul3A_52, %add3A_69 : i32
      %mul3A_71 = arith.constant 10240 : i32
      %mul3A_72 = arith.muli %arg1, %mul3A_71 : i32
      %mul3A_73 = arith.constant 128 : i32
      %mul3A_74 = arith.muli %add3A_70, %mul3A_73 : i32
      %add3A_75 = arith.addi %mul3A_72, %mul3A_74 : i32
      %dma_wait3A_76 = tpu.memref_slice %arg4[%add3A_75] : memref<163840xi32, #tpu.memory_space<hbm>> -> memref<128xi32, #tpu.memory_space<hbm>>
      %dma_wait3A_77 = tpu.memref_slice %arg4[%add3A_75] : memref<163840xi32, #tpu.memory_space<hbm>> -> memref<128xi32, #tpu.memory_space<hbm>>
      tpu.wait_dma2 semaphore(%arg15 : memref<!tpu.dma_semaphore, #tpu.memory_space<semaphore_mem>>) src(%dma_wait3A_77 : memref<128xi32, #tpu.memory_space<hbm>>) dst(%arg8 : memref<128xi32, #tpu.memory_space<vmem>>)
      %dma_wait3A_78 = arith.constant 0 : i32
      %dma_wait3A_79 = tpu.memref_slice %arg6[%add3A_70, %dma_wait3A_78] : memref<80x128xi32, #tpu.memory_space<vmem>> -> memref<1x128xi32, #tpu.memory_space<vmem>>
      %dma_wait3A_80 = tpu.memref_squeeze %dma_wait3A_79 : memref<1x128xi32, #tpu.memory_space<vmem>> -> memref<128xi32, #tpu.memory_space<vmem>>
      %dma_wait3A_81 = arith.constant 0 : i32
      %dma_wait3A_82 = arith.constant 0 : i32
      %dma_wait3A_83 = tpu.memref_slice %arg2[%dma_wait3A_81, %dma_wait3A_82] : memref<20000x128xf32, #tpu.memory_space<hbm>> -> memref<20000x128xf32, #tpu.memory_space<hbm>>
      tpu.wait_indirect_dma semaphore(%arg13 : memref<!tpu.dma_semaphore, #tpu.memory_space<semaphore_mem>>) src(%dma_wait3A_83 : memref<20000x128xf32, #tpu.memory_space<hbm>>) dst(%arg10 : memref<128x128xf32, #tpu.memory_space<vmem>>)
      "tpu.region"() ({
        %run_scoped3A = tpu.sem_alloc : memref<!tpu.dma_semaphore, #tpu.memory_space<semaphore_mem>>
        %dma_start3A_92 = arith.constant 0 : i32
        %dma_start3A_93 = arith.constant 0 : i32
        %dma_start3A_94 = tpu.memref_slice %arg16[%dma_start3A_92, %dma_start3A_93] : memref<10240x128xf32, #tpu.memory_space<vmem_shared>> -> memref<10240x128xf32, #tpu.memory_space<vmem_shared>>
        tpu.enqueue_indirect_dma source(%arg10 : memref<128x128xf32, #tpu.memory_space<vmem>>) target(%dma_start3A_94 : memref<10240x128xf32, #tpu.memory_space<vmem_shared>>) offsets(%arg8 : memref<128xi32, #tpu.memory_space<vmem>>) semaphore(%run_scoped3A : memref<!tpu.dma_semaphore, #tpu.memory_space<semaphore_mem>>) {add = true}
        %dma_wait3A_95 = arith.constant 0 : i32
        %dma_wait3A_96 = arith.constant 0 : i32
        %dma_wait3A_97 = tpu.memref_slice %arg16[%dma_wait3A_95, %dma_wait3A_96] : memref<10240x128xf32, #tpu.memory_space<vmem_shared>> -> memref<10240x128xf32, #tpu.memory_space<vmem_shared>>
        tpu.wait_indirect_dma semaphore(%run_scoped3A : memref<!tpu.dma_semaphore, #tpu.memory_space<semaphore_mem>>) src(%arg10 : memref<128x128xf32, #tpu.memory_space<vmem>>) dst(%dma_wait3A_97 : memref<10240x128xf32, #tpu.memory_space<vmem_shared>>)
        tpu.yield
      }) : () -> ()
      %add3A_84 = arith.constant 3 : i32
      %add3A_85 = arith.addi %mul3A_52, %add3A_84 : i32
      %lt3A_86 = arith.constant 80 : i32
      %lt3A_87 = arith.cmpi slt, %add3A_85, %lt3A_86 : i32
      %convert_element_type3A_88 = arith.extui %lt3A_87 : i1 to i32
      %cond3A_89 = arith.constant 0 : i32
      %cond3A_90 = arith.cmpi ne, %convert_element_type3A_88, %cond3A_89 : i32
      scf.if %cond3A_90 {
        %add3A_92 = arith.constant 3 : i32
        %add3A_93 = arith.addi %mul3A_52, %add3A_92 : i32
        %mul3A_94 = arith.constant 10240 : i32
        %mul3A_95 = arith.muli %arg1, %mul3A_94 : i32
        %mul3A_96 = arith.constant 128 : i32
        %mul3A_97 = arith.muli %add3A_93, %mul3A_96 : i32
        %add3A_98 = arith.addi %mul3A_95, %mul3A_97 : i32
        %dma_start3A_99 = tpu.memref_slice %arg4[%add3A_98] : memref<163840xi32, #tpu.memory_space<hbm>> -> memref<128xi32, #tpu.memory_space<hbm>>
        %dma_start3A_100 = tpu.memref_slice %arg4[%add3A_98] : memref<163840xi32, #tpu.memory_space<hbm>> -> memref<128xi32, #tpu.memory_space<hbm>>
        tpu.enqueue_dma source(%dma_start3A_100 : memref<128xi32, #tpu.memory_space<hbm>>) target(%arg8 : memref<128xi32, #tpu.memory_space<vmem>>) target_semaphore(%arg15 : memref<!tpu.dma_semaphore, #tpu.memory_space<semaphore_mem>>)
        %dma_start3A_101 = arith.constant 0 : i32
        %dma_start3A_102 = tpu.memref_slice %arg6[%add3A_93, %dma_start3A_101] : memref<80x128xi32, #tpu.memory_space<vmem>> -> memref<1x128xi32, #tpu.memory_space<vmem>>
        %dma_start3A_103 = tpu.memref_squeeze %dma_start3A_102 : memref<1x128xi32, #tpu.memory_space<vmem>> -> memref<128xi32, #tpu.memory_space<vmem>>
        %dma_start3A_104 = arith.constant 0 : i32
        %dma_start3A_105 = arith.constant 0 : i32
        %dma_start3A_106 = tpu.memref_slice %arg2[%dma_start3A_104, %dma_start3A_105] : memref<20000x128xf32, #tpu.memory_space<hbm>> -> memref<20000x128xf32, #tpu.memory_space<hbm>>
        tpu.enqueue_indirect_dma source(%dma_start3A_106 : memref<20000x128xf32, #tpu.memory_space<hbm>>) target(%arg10 : memref<128x128xf32, #tpu.memory_space<vmem>>) offsets(%dma_start3A_103 : memref<128xi32, #tpu.memory_space<vmem>>) semaphore(%arg13 : memref<!tpu.dma_semaphore, #tpu.memory_space<semaphore_mem>>)
      } else {
      }
      %scan3A_91 = arith.constant 0 : i32
      scf.yield %scan3A_91 : i32
    }
    %scan3A_43 = arith.constant 40 : i32
    %barrier3A_44 = arith.constant 0 : index
    tpu.barrier barrier_id(%barrier3A_44)
    %mul3A_45 = arith.constant 640 : i32
    %mul3A_46 = arith.muli %arg1, %mul3A_45 : i32
    %mul3A_47 = arith.constant 640 : i32
    %mul3A_48 = arith.muli %arg1, %mul3A_47 : i32
    "tpu.region"() ({
      %run_scoped3A = tpu.sem_alloc : memref<!tpu.dma_semaphore, #tpu.memory_space<semaphore_mem>>
      %dma_start3A_49 = arith.constant 0 : i32
      %dma_start3A_50 = tpu.memref_slice %arg5[%arg0, %mul3A_48, %dma_start3A_49] : memref<2x10240x128xf32, #tpu.memory_space<hbm>> -> memref<1x640x128xf32, #tpu.memory_space<hbm>>
      %dma_start3A_51 = tpu.memref_squeeze %dma_start3A_50 : memref<1x640x128xf32, #tpu.memory_space<hbm>> -> memref<640x128xf32, #tpu.memory_space<hbm>>
      %dma_start3A_52 = arith.constant 0 : i32
      %dma_start3A_53 = tpu.memref_slice %arg16[%mul3A_46, %dma_start3A_52] : memref<10240x128xf32, #tpu.memory_space<vmem_shared>> -> memref<640x128xf32, #tpu.memory_space<vmem_shared>>
      tpu.enqueue_dma source(%dma_start3A_53 : memref<640x128xf32, #tpu.memory_space<vmem_shared>>) target(%dma_start3A_51 : memref<640x128xf32, #tpu.memory_space<hbm>>) target_semaphore(%run_scoped3A : memref<!tpu.dma_semaphore, #tpu.memory_space<semaphore_mem>>)
      %dma_wait3A = arith.constant 0 : i32
      %dma_wait3A_54 = tpu.memref_slice %arg5[%arg0, %mul3A_48, %dma_wait3A] : memref<2x10240x128xf32, #tpu.memory_space<hbm>> -> memref<1x640x128xf32, #tpu.memory_space<hbm>>
      %dma_wait3A_55 = tpu.memref_squeeze %dma_wait3A_54 : memref<1x640x128xf32, #tpu.memory_space<hbm>> -> memref<640x128xf32, #tpu.memory_space<hbm>>
      %dma_wait3A_56 = arith.constant 0 : i32
      %dma_wait3A_57 = tpu.memref_slice %arg16[%mul3A_46, %dma_wait3A_56] : memref<10240x128xf32, #tpu.memory_space<vmem_shared>> -> memref<640x128xf32, #tpu.memory_space<vmem_shared>>
      tpu.wait_dma2 semaphore(%run_scoped3A : memref<!tpu.dma_semaphore, #tpu.memory_space<semaphore_mem>>) src(%dma_wait3A_57 : memref<640x128xf32, #tpu.memory_space<vmem_shared>>) dst(%dma_wait3A_55 : memref<640x128xf32, #tpu.memory_space<hbm>>)
      tpu.yield
    }) : () -> ()
    return
  }
}

#map = affine_map<(d0, d1) -> (0, 0)>
module attributes {stable_mosaic.version = 14 : i64} {
  func.func @_degrees(%arg0: i32, %arg1: i32, %arg2: memref<2x163840xi32, #tpu.memory_space<hbm>>, %arg3: memref<2x10240xf32, #tpu.memory_space<hbm>>, %arg4: memref<128xi32, #tpu.memory_space<vmem>>, %arg5: memref<128xi32, #tpu.memory_space<vmem>>, %arg6: memref<640xf32, #tpu.memory_space<vmem>>, %arg7: memref<128xf32, #tpu.memory_space<vmem>>, %arg8: memref<!tpu.dma_semaphore, #tpu.memory_space<semaphore_mem>>, %arg9: memref<!tpu.dma_semaphore, #tpu.memory_space<semaphore_mem>>, %arg10: memref<!tpu.dma_semaphore, #tpu.memory_space<semaphore_mem>>, %arg11: memref<!tpu.dma_semaphore, #tpu.memory_space<semaphore_mem>>, %arg12: memref<10240xf32, #tpu.memory_space<vmem_shared>>) attributes {dimension_semantics = [#tpu.dimension_semantics<core_parallel>, #tpu.dimension_semantics<subcore_parallel>], iteration_bounds = array<i64: 2, 16>, scalar_prefetch = 0 : i64, scratch_operands = 9 : i64, tpu.core_type = #tpu.core_type<sc_vector_subcore>, window_params = [{transform_indices = #map}, {transform_indices = #map}]} {
    %broadcast_in_dim3A = arith.constant 0.000000e+00 : f32
    %broadcast_in_dim3A_0 = vector.broadcast %broadcast_in_dim3A : f32 to vector<16xf32>
    %broadcast_in_dim3A_1 = arith.constant 1.000000e+00 : f32
    %broadcast_in_dim3A_2 = vector.broadcast %broadcast_in_dim3A_1 : f32 to vector<16xf32>
    %swap3A = arith.constant 0 : index
    %swap3A_3 = tpu.vector_load %arg7[%swap3A] {strides = array<i32>} : memref<128xf32, #tpu.memory_space<vmem>>, vector<16xf32>,
    %swap3A_4 = vector.shape_cast %swap3A_3 : vector<16xf32> to vector<16xf32>
    %swap3A_5 = vector.shape_cast %broadcast_in_dim3A_2 : vector<16xf32> to vector<16xf32>
    tpu.vector_store %arg7[%swap3A], %swap3A_5 {strides = array<i32>} : memref<128xf32, #tpu.memory_space<vmem>>, vector<16xf32>,
    %swap3A_6 = arith.constant 16 : index
    %swap3A_7 = tpu.vector_load %arg7[%swap3A_6] {strides = array<i32>} : memref<128xf32, #tpu.memory_space<vmem>>, vector<16xf32>,
    %swap3A_8 = vector.shape_cast %swap3A_7 : vector<16xf32> to vector<16xf32>
    %swap3A_9 = vector.shape_cast %broadcast_in_dim3A_2 : vector<16xf32> to vector<16xf32>
    tpu.vector_store %arg7[%swap3A_6], %swap3A_9 {strides = array<i32>} : memref<128xf32, #tpu.memory_space<vmem>>, vector<16xf32>,
    %swap3A_10 = arith.constant 32 : index
    %swap3A_11 = tpu.vector_load %arg7[%swap3A_10] {strides = array<i32>} : memref<128xf32, #tpu.memory_space<vmem>>, vector<16xf32>,
    %swap3A_12 = vector.shape_cast %swap3A_11 : vector<16xf32> to vector<16xf32>
    %swap3A_13 = vector.shape_cast %broadcast_in_dim3A_2 : vector<16xf32> to vector<16xf32>
    tpu.vector_store %arg7[%swap3A_10], %swap3A_13 {strides = array<i32>} : memref<128xf32, #tpu.memory_space<vmem>>, vector<16xf32>,
    %swap3A_14 = arith.constant 48 : index
    %swap3A_15 = tpu.vector_load %arg7[%swap3A_14] {strides = array<i32>} : memref<128xf32, #tpu.memory_space<vmem>>, vector<16xf32>,
    %swap3A_16 = vector.shape_cast %swap3A_15 : vector<16xf32> to vector<16xf32>
    %swap3A_17 = vector.shape_cast %broadcast_in_dim3A_2 : vector<16xf32> to vector<16xf32>
    tpu.vector_store %arg7[%swap3A_14], %swap3A_17 {strides = array<i32>} : memref<128xf32, #tpu.memory_space<vmem>>, vector<16xf32>,
    %swap3A_18 = arith.constant 64 : index
    %swap3A_19 = tpu.vector_load %arg7[%swap3A_18] {strides = array<i32>} : memref<128xf32, #tpu.memory_space<vmem>>, vector<16xf32>,
    %swap3A_20 = vector.shape_cast %swap3A_19 : vector<16xf32> to vector<16xf32>
    %swap3A_21 = vector.shape_cast %broadcast_in_dim3A_2 : vector<16xf32> to vector<16xf32>
    tpu.vector_store %arg7[%swap3A_18], %swap3A_21 {strides = array<i32>} : memref<128xf32, #tpu.memory_space<vmem>>, vector<16xf32>,
    %swap3A_22 = arith.constant 80 : index
    %swap3A_23 = tpu.vector_load %arg7[%swap3A_22] {strides = array<i32>} : memref<128xf32, #tpu.memory_space<vmem>>, vector<16xf32>,
    %swap3A_24 = vector.shape_cast %swap3A_23 : vector<16xf32> to vector<16xf32>
    %swap3A_25 = vector.shape_cast %broadcast_in_dim3A_2 : vector<16xf32> to vector<16xf32>
    tpu.vector_store %arg7[%swap3A_22], %swap3A_25 {strides = array<i32>} : memref<128xf32, #tpu.memory_space<vmem>>, vector<16xf32>,
    %swap3A_26 = arith.constant 96 : index
    %swap3A_27 = tpu.vector_load %arg7[%swap3A_26] {strides = array<i32>} : memref<128xf32, #tpu.memory_space<vmem>>, vector<16xf32>,
    %swap3A_28 = vector.shape_cast %swap3A_27 : vector<16xf32> to vector<16xf32>
    %swap3A_29 = vector.shape_cast %broadcast_in_dim3A_2 : vector<16xf32> to vector<16xf32>
    tpu.vector_store %arg7[%swap3A_26], %swap3A_29 {strides = array<i32>} : memref<128xf32, #tpu.memory_space<vmem>>, vector<16xf32>,
    %swap3A_30 = arith.constant 112 : index
    %swap3A_31 = tpu.vector_load %arg7[%swap3A_30] {strides = array<i32>} : memref<128xf32, #tpu.memory_space<vmem>>, vector<16xf32>,
    %swap3A_32 = vector.shape_cast %swap3A_31 : vector<16xf32> to vector<16xf32>
    %swap3A_33 = vector.shape_cast %broadcast_in_dim3A_2 : vector<16xf32> to vector<16xf32>
    tpu.vector_store %arg7[%swap3A_30], %swap3A_33 {strides = array<i32>} : memref<128xf32, #tpu.memory_space<vmem>>, vector<16xf32>,
    %scan3A = arith.constant 0 : i32
    %scan3A_34 = arith.constant 0 : i32
    %scan3A_35 = arith.constant 40 : i32
    %scan3A_36 = arith.addi %scan3A_34, %scan3A_35 : i32
    %scan3A_37 = arith.constant 1 : i32
    %scan3A_38 = scf.for %scan3A_67 = %scan3A_34 to %scan3A_36 step %scan3A_37 iter_args(%scan3A_68 = %scan3A) -> (i32)  : i32 {
      %mul3A_69 = arith.constant 16 : i32
      %mul3A_70 = arith.muli %mul3A_69, %scan3A_67 : i32
      %swap3A_71 = arith.index_cast %mul3A_70 : i32 to index
      %swap3A_72 = tpu.vector_load %arg6[%swap3A_71] {strides = array<i32>} : memref<640xf32, #tpu.memory_space<vmem>>, vector<16xf32>,
      %swap3A_73 = vector.shape_cast %swap3A_72 : vector<16xf32> to vector<16xf32>
      %swap3A_74 = vector.shape_cast %broadcast_in_dim3A_0 : vector<16xf32> to vector<16xf32>
      tpu.vector_store %arg6[%swap3A_71], %swap3A_74 {strides = array<i32>} : memref<640xf32, #tpu.memory_space<vmem>>, vector<16xf32>,
      %scan3A_75 = arith.constant 0 : i32
      scf.yield %scan3A_75 : i32
    }
    %scan3A_39 = arith.constant 40 : i32
    %mul3A = arith.constant 640 : i32
    %mul3A_40 = arith.muli %arg1, %mul3A : i32
    "tpu.region"() ({
      %run_scoped3A = tpu.sem_alloc : memref<!tpu.dma_semaphore, #tpu.memory_space<semaphore_mem>>
      %dma_start3A_67 = tpu.memref_slice %arg12[%mul3A_40] : memref<10240xf32, #tpu.memory_space<vmem_shared>> -> memref<640xf32, #tpu.memory_space<vmem_shared>>
      %dma_start3A_68 = tpu.memref_slice %arg12[%mul3A_40] : memref<10240xf32, #tpu.memory_space<vmem_shared>> -> memref<640xf32, #tpu.memory_space<vmem_shared>>
      tpu.enqueue_dma source(%arg6 : memref<640xf32, #tpu.memory_space<vmem>>) target(%dma_start3A_68 : memref<640xf32, #tpu.memory_space<vmem_shared>>) target_semaphore(%run_scoped3A : memref<!tpu.dma_semaphore, #tpu.memory_space<semaphore_mem>>)
      %dma_wait3A = tpu.memref_slice %arg12[%mul3A_40] : memref<10240xf32, #tpu.memory_space<vmem_shared>> -> memref<640xf32, #tpu.memory_space<vmem_shared>>
      %dma_wait3A_69 = tpu.memref_slice %arg12[%mul3A_40] : memref<10240xf32, #tpu.memory_space<vmem_shared>> -> memref<640xf32, #tpu.memory_space<vmem_shared>>
      tpu.wait_dma2 semaphore(%run_scoped3A : memref<!tpu.dma_semaphore, #tpu.memory_space<semaphore_mem>>) src(%arg6 : memref<640xf32, #tpu.memory_space<vmem>>) dst(%dma_wait3A_69 : memref<640xf32, #tpu.memory_space<vmem_shared>>)
      tpu.yield
    }) : () -> ()
    %barrier3A = arith.constant 0 : index
    tpu.barrier barrier_id(%barrier3A)
    %mul3A_41 = arith.constant 10240 : i32
    %mul3A_42 = arith.muli %arg1, %mul3A_41 : i32
    %add3A = arith.constant 0 : i32
    %add3A_43 = arith.addi %mul3A_42, %add3A : i32
    %dma_start3A = tpu.memref_slice %arg2[%arg0, %add3A_43] : memref<2x163840xi32, #tpu.memory_space<hbm>> -> memref<1x128xi32, #tpu.memory_space<hbm>>
    %dma_start3A_44 = tpu.memref_squeeze %dma_start3A : memref<1x128xi32, #tpu.memory_space<hbm>> -> memref<128xi32, #tpu.memory_space<hbm>>
    %dma_start3A_45 = tpu.memref_slice %arg2[%arg0, %add3A_43] : memref<2x163840xi32, #tpu.memory_space<hbm>> -> memref<1x128xi32, #tpu.memory_space<hbm>>
    %dma_start3A_46 = tpu.memref_squeeze %dma_start3A_45 : memref<1x128xi32, #tpu.memory_space<hbm>> -> memref<128xi32, #tpu.memory_space<hbm>>
    tpu.enqueue_dma source(%dma_start3A_46 : memref<128xi32, #tpu.memory_space<hbm>>) target(%arg4 : memref<128xi32, #tpu.memory_space<vmem>>) target_semaphore(%arg8 : memref<!tpu.dma_semaphore, #tpu.memory_space<semaphore_mem>>)
    %mul3A_47 = arith.constant 10240 : i32
    %mul3A_48 = arith.muli %arg1, %mul3A_47 : i32
    %add3A_49 = arith.constant 128 : i32
    %add3A_50 = arith.addi %mul3A_48, %add3A_49 : i32
    %dma_start3A_51 = tpu.memref_slice %arg2[%arg0, %add3A_50] : memref<2x163840xi32, #tpu.memory_space<hbm>> -> memref<1x128xi32, #tpu.memory_space<hbm>>
    %dma_start3A_52 = tpu.memref_squeeze %dma_start3A_51 : memref<1x128xi32, #tpu.memory_space<hbm>> -> memref<128xi32, #tpu.memory_space<hbm>>
    %dma_start3A_53 = tpu.memref_slice %arg2[%arg0, %add3A_50] : memref<2x163840xi32, #tpu.memory_space<hbm>> -> memref<1x128xi32, #tpu.memory_space<hbm>>
    %dma_start3A_54 = tpu.memref_squeeze %dma_start3A_53 : memref<1x128xi32, #tpu.memory_space<hbm>> -> memref<128xi32, #tpu.memory_space<hbm>>
    tpu.enqueue_dma source(%dma_start3A_54 : memref<128xi32, #tpu.memory_space<hbm>>) target(%arg5 : memref<128xi32, #tpu.memory_space<vmem>>) target_semaphore(%arg9 : memref<!tpu.dma_semaphore, #tpu.memory_space<semaphore_mem>>)
    %scan3A_55 = arith.constant 0 : i32
    %scan3A_56 = arith.constant 0 : i32
    %scan3A_57 = arith.constant 40 : i32
    %scan3A_58 = arith.addi %scan3A_56, %scan3A_57 : i32
    %scan3A_59 = arith.constant 1 : i32
    %scan3A_60 = scf.for %scan3A_67 = %scan3A_56 to %scan3A_58 step %scan3A_59 iter_args(%scan3A_68 = %scan3A_55) -> (i32)  : i32 {
      %mul3A_69 = arith.constant 2 : i32
      %mul3A_70 = arith.muli %scan3A_67, %mul3A_69 : i32
      %mul3A_71 = arith.constant 10240 : i32
      %mul3A_72 = arith.muli %arg1, %mul3A_71 : i32
      %mul3A_73 = arith.constant 128 : i32
      %mul3A_74 = arith.muli %mul3A_70, %mul3A_73 : i32
      %add3A_75 = arith.addi %mul3A_72, %mul3A_74 : i32
      %dma_wait3A = tpu.memref_slice %arg2[%arg0, %add3A_75] : memref<2x163840xi32, #tpu.memory_space<hbm>> -> memref<1x128xi32, #tpu.memory_space<hbm>>
      %dma_wait3A_76 = tpu.memref_squeeze %dma_wait3A : memref<1x128xi32, #tpu.memory_space<hbm>> -> memref<128xi32, #tpu.memory_space<hbm>>
      %dma_wait3A_77 = tpu.memref_slice %arg2[%arg0, %add3A_75] : memref<2x163840xi32, #tpu.memory_space<hbm>> -> memref<1x128xi32, #tpu.memory_space<hbm>>
      %dma_wait3A_78 = tpu.memref_squeeze %dma_wait3A_77 : memref<1x128xi32, #tpu.memory_space<hbm>> -> memref<128xi32, #tpu.memory_space<hbm>>
      tpu.wait_dma2 semaphore(%arg8 : memref<!tpu.dma_semaphore, #tpu.memory_space<semaphore_mem>>) src(%dma_wait3A_78 : memref<128xi32, #tpu.memory_space<hbm>>) dst(%arg4 : memref<128xi32, #tpu.memory_space<vmem>>)
      %dma_start3A_79 = arith.constant 0 : i32
      %dma_start3A_80 = tpu.memref_slice %arg12[%dma_start3A_79] : memref<10240xf32, #tpu.memory_space<vmem_shared>> -> memref<10240xf32, #tpu.memory_space<vmem_shared>>
      tpu.enqueue_indirect_dma source(%arg7 : memref<128xf32, #tpu.memory_space<vmem>>) target(%dma_start3A_80 : memref<10240xf32, #tpu.memory_space<vmem_shared>>) offsets(%arg4 : memref<128xi32, #tpu.memory_space<vmem>>) semaphore(%arg10 : memref<!tpu.dma_semaphore, #tpu.memory_space<semaphore_mem>>) {add = true}
      %add3A_81 = arith.constant 1 : i32
      %add3A_82 = arith.addi %mul3A_70, %add3A_81 : i32
      %mul3A_83 = arith.constant 10240 : i32
      %mul3A_84 = arith.muli %arg1, %mul3A_83 : i32
      %mul3A_85 = arith.constant 128 : i32
      %mul3A_86 = arith.muli %add3A_82, %mul3A_85 : i32
      %add3A_87 = arith.addi %mul3A_84, %mul3A_86 : i32
      %dma_wait3A_88 = tpu.memref_slice %arg2[%arg0, %add3A_87] : memref<2x163840xi32, #tpu.memory_space<hbm>> -> memref<1x128xi32, #tpu.memory_space<hbm>>
      %dma_wait3A_89 = tpu.memref_squeeze %dma_wait3A_88 : memref<1x128xi32, #tpu.memory_space<hbm>> -> memref<128xi32, #tpu.memory_space<hbm>>
      %dma_wait3A_90 = tpu.memref_slice %arg2[%arg0, %add3A_87] : memref<2x163840xi32, #tpu.memory_space<hbm>> -> memref<1x128xi32, #tpu.memory_space<hbm>>
      %dma_wait3A_91 = tpu.memref_squeeze %dma_wait3A_90 : memref<1x128xi32, #tpu.memory_space<hbm>> -> memref<128xi32, #tpu.memory_space<hbm>>
      tpu.wait_dma2 semaphore(%arg9 : memref<!tpu.dma_semaphore, #tpu.memory_space<semaphore_mem>>) src(%dma_wait3A_91 : memref<128xi32, #tpu.memory_space<hbm>>) dst(%arg5 : memref<128xi32, #tpu.memory_space<vmem>>)
      %dma_start3A_92 = arith.constant 0 : i32
      %dma_start3A_93 = tpu.memref_slice %arg12[%dma_start3A_92] : memref<10240xf32, #tpu.memory_space<vmem_shared>> -> memref<10240xf32, #tpu.memory_space<vmem_shared>>
      tpu.enqueue_indirect_dma source(%arg7 : memref<128xf32, #tpu.memory_space<vmem>>) target(%dma_start3A_93 : memref<10240xf32, #tpu.memory_space<vmem_shared>>) offsets(%arg5 : memref<128xi32, #tpu.memory_space<vmem>>) semaphore(%arg11 : memref<!tpu.dma_semaphore, #tpu.memory_space<semaphore_mem>>) {add = true}
      %dma_wait3A_94 = arith.constant 0 : i32
      %dma_wait3A_95 = tpu.memref_slice %arg12[%dma_wait3A_94] : memref<10240xf32, #tpu.memory_space<vmem_shared>> -> memref<10240xf32, #tpu.memory_space<vmem_shared>>
      tpu.wait_indirect_dma semaphore(%arg10 : memref<!tpu.dma_semaphore, #tpu.memory_space<semaphore_mem>>) src(%arg7 : memref<128xf32, #tpu.memory_space<vmem>>) dst(%dma_wait3A_95 : memref<10240xf32, #tpu.memory_space<vmem_shared>>)
      %add3A_96 = arith.constant 2 : i32
      %add3A_97 = arith.addi %mul3A_70, %add3A_96 : i32
      %lt3A = arith.constant 80 : i32
      %lt3A_98 = arith.cmpi slt, %add3A_97, %lt3A : i32
      %convert_element_type3A = arith.extui %lt3A_98 : i1 to i32
      %cond3A = arith.constant 0 : i32
      %cond3A_99 = arith.cmpi ne, %convert_element_type3A, %cond3A : i32
      scf.if %cond3A_99 {
        %add3A_110 = arith.constant 2 : i32
        %add3A_111 = arith.addi %mul3A_70, %add3A_110 : i32
        %mul3A_112 = arith.constant 10240 : i32
        %mul3A_113 = arith.muli %arg1, %mul3A_112 : i32
        %mul3A_114 = arith.constant 128 : i32
        %mul3A_115 = arith.muli %add3A_111, %mul3A_114 : i32
        %add3A_116 = arith.addi %mul3A_113, %mul3A_115 : i32
        %dma_start3A_117 = tpu.memref_slice %arg2[%arg0, %add3A_116] : memref<2x163840xi32, #tpu.memory_space<hbm>> -> memref<1x128xi32, #tpu.memory_space<hbm>>
        %dma_start3A_118 = tpu.memref_squeeze %dma_start3A_117 : memref<1x128xi32, #tpu.memory_space<hbm>> -> memref<128xi32, #tpu.memory_space<hbm>>
        %dma_start3A_119 = tpu.memref_slice %arg2[%arg0, %add3A_116] : memref<2x163840xi32, #tpu.memory_space<hbm>> -> memref<1x128xi32, #tpu.memory_space<hbm>>
        %dma_start3A_120 = tpu.memref_squeeze %dma_start3A_119 : memref<1x128xi32, #tpu.memory_space<hbm>> -> memref<128xi32, #tpu.memory_space<hbm>>
        tpu.enqueue_dma source(%dma_start3A_120 : memref<128xi32, #tpu.memory_space<hbm>>) target(%arg4 : memref<128xi32, #tpu.memory_space<vmem>>) target_semaphore(%arg8 : memref<!tpu.dma_semaphore, #tpu.memory_space<semaphore_mem>>)
      } else {
      }
      %dma_wait3A_100 = arith.constant 0 : i32
      %dma_wait3A_101 = tpu.memref_slice %arg12[%dma_wait3A_100] : memref<10240xf32, #tpu.memory_space<vmem_shared>> -> memref<10240xf32, #tpu.memory_space<vmem_shared>>
      tpu.wait_indirect_dma semaphore(%arg11 : memref<!tpu.dma_semaphore, #tpu.memory_space<semaphore_mem>>) src(%arg7 : memref<128xf32, #tpu.memory_space<vmem>>) dst(%dma_wait3A_101 : memref<10240xf32, #tpu.memory_space<vmem_shared>>)
      %add3A_102 = arith.constant 3 : i32
      %add3A_103 = arith.addi %mul3A_70, %add3A_102 : i32
      %lt3A_104 = arith.constant 80 : i32
      %lt3A_105 = arith.cmpi slt, %add3A_103, %lt3A_104 : i32
      %convert_element_type3A_106 = arith.extui %lt3A_105 : i1 to i32
      %cond3A_107 = arith.constant 0 : i32
      %cond3A_108 = arith.cmpi ne, %convert_element_type3A_106, %cond3A_107 : i32
      scf.if %cond3A_108 {
        %add3A_110 = arith.constant 3 : i32
        %add3A_111 = arith.addi %mul3A_70, %add3A_110 : i32
        %mul3A_112 = arith.constant 10240 : i32
        %mul3A_113 = arith.muli %arg1, %mul3A_112 : i32
        %mul3A_114 = arith.constant 128 : i32
        %mul3A_115 = arith.muli %add3A_111, %mul3A_114 : i32
        %add3A_116 = arith.addi %mul3A_113, %mul3A_115 : i32
        %dma_start3A_117 = tpu.memref_slice %arg2[%arg0, %add3A_116] : memref<2x163840xi32, #tpu.memory_space<hbm>> -> memref<1x128xi32, #tpu.memory_space<hbm>>
        %dma_start3A_118 = tpu.memref_squeeze %dma_start3A_117 : memref<1x128xi32, #tpu.memory_space<hbm>> -> memref<128xi32, #tpu.memory_space<hbm>>
        %dma_start3A_119 = tpu.memref_slice %arg2[%arg0, %add3A_116] : memref<2x163840xi32, #tpu.memory_space<hbm>> -> memref<1x128xi32, #tpu.memory_space<hbm>>
        %dma_start3A_120 = tpu.memref_squeeze %dma_start3A_119 : memref<1x128xi32, #tpu.memory_space<hbm>> -> memref<128xi32, #tpu.memory_space<hbm>>
        tpu.enqueue_dma source(%dma_start3A_120 : memref<128xi32, #tpu.memory_space<hbm>>) target(%arg5 : memref<128xi32, #tpu.memory_space<vmem>>) target_semaphore(%arg9 : memref<!tpu.dma_semaphore, #tpu.memory_space<semaphore_mem>>)
      } else {
      }
      %scan3A_109 = arith.constant 0 : i32
      scf.yield %scan3A_109 : i32
    }
    %scan3A_61 = arith.constant 40 : i32
    %barrier3A_62 = arith.constant 0 : index
    tpu.barrier barrier_id(%barrier3A_62)
    %mul3A_63 = arith.constant 640 : i32
    %mul3A_64 = arith.muli %arg1, %mul3A_63 : i32
    %mul3A_65 = arith.constant 640 : i32
    %mul3A_66 = arith.muli %arg1, %mul3A_65 : i32
    "tpu.region"() ({
      %run_scoped3A = tpu.sem_alloc : memref<!tpu.dma_semaphore, #tpu.memory_space<semaphore_mem>>
      %dma_start3A_67 = tpu.memref_slice %arg3[%arg0, %mul3A_66] : memref<2x10240xf32, #tpu.memory_space<hbm>> -> memref<1x640xf32, #tpu.memory_space<hbm>>
      %dma_start3A_68 = tpu.memref_squeeze %dma_start3A_67 : memref<1x640xf32, #tpu.memory_space<hbm>> -> memref<640xf32, #tpu.memory_space<hbm>>
      %dma_start3A_69 = tpu.memref_slice %arg12[%mul3A_64] : memref<10240xf32, #tpu.memory_space<vmem_shared>> -> memref<640xf32, #tpu.memory_space<vmem_shared>>
      tpu.enqueue_dma source(%dma_start3A_69 : memref<640xf32, #tpu.memory_space<vmem_shared>>) target(%dma_start3A_68 : memref<640xf32, #tpu.memory_space<hbm>>) target_semaphore(%run_scoped3A : memref<!tpu.dma_semaphore, #tpu.memory_space<semaphore_mem>>)
      %dma_wait3A = tpu.memref_slice %arg3[%arg0, %mul3A_66] : memref<2x10240xf32, #tpu.memory_space<hbm>> -> memref<1x640xf32, #tpu.memory_space<hbm>>
      %dma_wait3A_70 = tpu.memref_squeeze %dma_wait3A : memref<1x640xf32, #tpu.memory_space<hbm>> -> memref<640xf32, #tpu.memory_space<hbm>>
      %dma_wait3A_71 = tpu.memref_slice %arg12[%mul3A_64] : memref<10240xf32, #tpu.memory_space<vmem_shared>> -> memref<640xf32, #tpu.memory_space<vmem_shared>>
      tpu.wait_dma2 semaphore(%run_scoped3A : memref<!tpu.dma_semaphore, #tpu.memory_space<semaphore_mem>>) src(%dma_wait3A_71 : memref<640xf32, #tpu.memory_space<vmem_shared>>) dst(%dma_wait3A_70 : memref<640xf32, #tpu.memory_space<hbm>>)
      tpu.yield
    }) : () -> ()
    return
  }
}

module attributes {stable_mosaic.version = 14 : i64} {
  func.func @_matmul_scale_kernel(%arg0: memref<10000x256xf32, #tpu.memory_space<vmem>>, %arg1: memref<256x256xf32, #tpu.memory_space<vmem>>, %arg2: memref<10000x1xf32, #tpu.memory_space<vmem>>, %arg3: memref<2x10000x128xf32, #tpu.memory_space<vmem>>) attributes {dimension_semantics = [], scalar_prefetch = 0 : i64, scratch_operands = 0 : i64, tpu.core_type = #tpu.core_type<tc>} {
    %get3A = arith.constant 0 : index
    %get3A_0 = arith.constant 0 : index
    %get3A_1 = vector.load %arg2[%get3A, %get3A_0] : memref<10000x1xf32, #tpu.memory_space<vmem>>, vector<10000x1xf32>
    %gt3A = arith.constant 0.000000e+00 : f32
    %gt3A_2 = vector.broadcast %gt3A : f32 to vector<10000x1xf32>
    %gt3A_3 = arith.cmpf ogt, %get3A_1, %gt3A_2 : vector<10000x1xf32>
    %max3A = arith.constant 9.99999996E-13 : f32
    %max3A_4 = vector.broadcast %max3A : f32 to vector<10000x1xf32>
    %max3A_5 = arith.maximumf %get3A_1, %max3A_4 : vector<10000x1xf32>
    %rsqrt3A = math.rsqrt %max3A_5 : vector<10000x1xf32>
    %jit3A = arith.constant 0.000000e+00 : f32
    %broadcast_in_dim3A = vector.broadcast %jit3A : f32 to vector<10000x1xf32>
    %select_n3A = arith.select %gt3A_3, %rsqrt3A, %broadcast_in_dim3A : vector<10000x1xi1>, vector<10000x1xf32>
    %get3A_6 = arith.constant 0 : index
    %get3A_7 = arith.constant 0 : index
    %get3A_8 = vector.load %arg0[%get3A_6, %get3A_7] : memref<10000x256xf32, #tpu.memory_space<vmem>>, vector<10000x256xf32>
    %get3A_9 = arith.constant 0 : index
    %get3A_10 = arith.constant 0 : index
    %get3A_11 = vector.load %arg1[%get3A_9, %get3A_10] : memref<256x256xf32, #tpu.memory_space<vmem>>, vector<256x256xf32>
    %dot_general3A = arith.constant dense<0.000000e+00> : vector<10000x256xf32>
    %dot_general3A_12 = tpu.matmul %get3A_8, %get3A_11, %dot_general3A {dimension_numbers = #tpu.dot_dimension_numbers<[1], [0], [0], [1], [0, 0, 1, 1], [], []>, transpose_lhs_hint = false} : vector<10000x256xf32>, vector<256x256xf32>, vector<10000x256xf32> -> vector<10000x256xf32>
    %mul3A = vector.broadcast %select_n3A : vector<10000x1xf32> to vector<10000x256xf32>
    %mul3A_13 = arith.mulf %dot_general3A_12, %mul3A : vector<10000x256xf32>
    %slice3A = vector.extract_strided_slice %mul3A_13 {offsets = [0, 0], sizes = [10000, 128], strides = [1, 1]} : vector<10000x256xf32> to vector<10000x128xf32>
    %swap3A = arith.constant 0 : index
    %swap3A_14 = arith.constant 0 : index
    %swap3A_15 = arith.constant 0 : index
    %swap3A_16 = vector.load %arg3[%swap3A, %swap3A_14, %swap3A_15] : memref<2x10000x128xf32, #tpu.memory_space<vmem>>, vector<1x10000x128xf32>
    %swap3A_17 = vector.shape_cast %swap3A_16 : vector<1x10000x128xf32> to vector<10000x128xf32>
    %swap3A_18 = vector.shape_cast %slice3A : vector<10000x128xf32> to vector<1x10000x128xf32>
    tpu.vector_store %arg3[%swap3A, %swap3A_14, %swap3A_15], %swap3A_18 {strides = array<i32>} : memref<2x10000x128xf32, #tpu.memory_space<vmem>>, vector<1x10000x128xf32>,
    %slice3A_19 = vector.extract_strided_slice %mul3A_13 {offsets = [0, 128], sizes = [10000, 128], strides = [1, 1]} : vector<10000x256xf32> to vector<10000x128xf32>
    %swap3A_20 = arith.constant 1 : index
    %swap3A_21 = arith.constant 0 : index
    %swap3A_22 = arith.constant 0 : index
    %swap3A_23 = vector.load %arg3[%swap3A_20, %swap3A_21, %swap3A_22] : memref<2x10000x128xf32, #tpu.memory_space<vmem>>, vector<1x10000x128xf32>
    %swap3A_24 = vector.shape_cast %swap3A_23 : vector<1x10000x128xf32> to vector<10000x128xf32>
    %swap3A_25 = vector.shape_cast %slice3A_19 : vector<10000x128xf32> to vector<1x10000x128xf32>
    tpu.vector_store %arg3[%swap3A_20, %swap3A_21, %swap3A_22], %swap3A_25 {strides = array<i32>} : memref<2x10000x128xf32, #tpu.memory_space<vmem>>, vector<1x10000x128xf32>,
    return
  }
}

module attributes {stable_mosaic.version = 14 : i64} {
  func.func @_finalize_kernel(%arg0: memref<2x10240x128xf32, #tpu.memory_space<vmem>>, %arg1: memref<10000x1xf32, #tpu.memory_space<vmem>>, %arg2: memref<1x256xf32, #tpu.memory_space<vmem>>, %arg3: memref<10000x256xf32, #tpu.memory_space<vmem>>) attributes {dimension_semantics = [], scalar_prefetch = 0 : i64, scratch_operands = 0 : i64, tpu.core_type = #tpu.core_type<tc>} {
    %get3A = arith.constant 0 : index
    %get3A_0 = arith.constant 0 : index
    %get3A_1 = vector.load %arg1[%get3A, %get3A_0] : memref<10000x1xf32, #tpu.memory_space<vmem>>, vector<10000x1xf32>
    %gt3A = arith.constant 0.000000e+00 : f32
    %gt3A_2 = vector.broadcast %gt3A : f32 to vector<10000x1xf32>
    %gt3A_3 = arith.cmpf ogt, %get3A_1, %gt3A_2 : vector<10000x1xf32>
    %max3A = arith.constant 9.99999996E-13 : f32
    %max3A_4 = vector.broadcast %max3A : f32 to vector<10000x1xf32>
    %max3A_5 = arith.maximumf %get3A_1, %max3A_4 : vector<10000x1xf32>
    %rsqrt3A = math.rsqrt %max3A_5 : vector<10000x1xf32>
    %jit3A = arith.constant 0.000000e+00 : f32
    %broadcast_in_dim3A = vector.broadcast %jit3A : f32 to vector<10000x1xf32>
    %select_n3A = arith.select %gt3A_3, %rsqrt3A, %broadcast_in_dim3A : vector<10000x1xi1>, vector<10000x1xf32>
    %get3A_6 = arith.constant 0 : index
    %get3A_7 = arith.constant 0 : index
    %get3A_8 = arith.constant 0 : index
    %get3A_9 = vector.load %arg0[%get3A_6, %get3A_7, %get3A_8] : memref<2x10240x128xf32, #tpu.memory_space<vmem>>, vector<1x10000x128xf32>
    %get3A_10 = vector.shape_cast %get3A_9 : vector<1x10000x128xf32> to vector<10000x128xf32>
    %get3A_11 = arith.constant 1 : index
    %get3A_12 = arith.constant 0 : index
    %get3A_13 = arith.constant 0 : index
    %get3A_14 = vector.load %arg0[%get3A_11, %get3A_12, %get3A_13] : memref<2x10240x128xf32, #tpu.memory_space<vmem>>, vector<1x10000x128xf32>
    %get3A_15 = vector.shape_cast %get3A_14 : vector<1x10000x128xf32> to vector<10000x128xf32>
    %concatenate3A = tpu.concatenate %get3A_10, %get3A_15 in 1 : vector<10000x128xf32>, vector<10000x128xf32> -> vector<10000x256xf32>
    %mul3A = vector.broadcast %select_n3A : vector<10000x1xf32> to vector<10000x256xf32>
    %mul3A_16 = arith.mulf %concatenate3A, %mul3A : vector<10000x256xf32>
    %get3A_17 = arith.constant 0 : index
    %get3A_18 = arith.constant 0 : index
    %get3A_19 = vector.load %arg2[%get3A_17, %get3A_18] : memref<1x256xf32, #tpu.memory_space<vmem>>, vector<1x256xf32>
    %add3A = vector.broadcast %get3A_19 : vector<1x256xf32> to vector<10000x256xf32>
    %add3A_20 = arith.addf %mul3A_16, %add3A : vector<10000x256xf32>
    %swap3A = arith.constant 0 : index
    %swap3A_21 = arith.constant 0 : index
    %swap3A_22 = vector.load %arg3[%swap3A, %swap3A_21] : memref<10000x256xf32, #tpu.memory_space<vmem>>, vector<10000x256xf32>
    tpu.vector_store %arg3[%swap3A, %swap3A_21], %add3A_20 {strides = array<i32>} : memref<10000x256xf32, #tpu.memory_space<vmem>>, vector<10000x256xf32>,
    return
  }
}

</mosaic_0001>

<sc_bundles>
// kernel: kernel.6.cloned.1.call-start
scs
__scs_entry_jumppad:
0x0: {  	(pc) =	sbr.rel $0x88, $3  }
0x1: {  	(tag) =	ssettag $0x0;
	lr =	simm.s32 $0x1  }
0x2: {  	[smem:$0x3F9D] =	sst lr;
	_ =	strace $0xD0000000  }
0x3: {  	_ = 	snop  }
0x4: {  	_ = 	snop  }
0x5: {  	_ = 	snop  }
0x6: {  	_ = 	snop  }
0x7: {  	_ = 	snop  }
__scs_overlays_trampoline_lowered:
0x8: {  	[smem:$0x3FAC] =	sst s0  }
0x9: {  	[smem:$0x3FAD] =	sst s1  }
0xa: {  	[smem:$0x3FAE] =	sst s2  }
0xb: {  	[smem:$0x3FAF] =	sst s3  }
0xc: {  	[smem:$0x3FB0] =	sst s4  }
0xd: {  	[smem:$0x3FB1] =	sst s5  }
0xe: {  	[smem:$0x3FB2] =	sst s6  }
0xf: {  	[smem:$0x3FB3] =	sst s7  }
0x10: {  	[smem:$0x3FB4] =	sst s8  }
0x11: {  	[smem:$0x3FB5] =	sst s9;
	s0 =	simm.s32 @!p0 $0x0  }
0x12: {  	s1 =	sld [smem:$0x3F9B];
	s0 =	simm.s32 @p0 $0x1  }
0x13: {  	[smem:$0x3FB6] =	sst s0;
	s0 =	simm.s32 @!p1 $0x0  }
0x14: {  	s2 =	sld [smem:$0x3F9A];
	s0 =	simm.s32 @p1 $0x1  }
0x15: {  	[smem:$0x3FB7] =	sst s0;
	s0 =	simm.s32 @!p2 $0x0  }
0x16: {  	s3 =	sld [smem:$0x3FDB];
	s0 =	simm.s32 @p2 $0x1  }
0x17: {  	s4 =	simm.s32 $0x1BF5;
	[smem:$0x3FB9] =	sst s0  }
0x18: {  	s0 =	sld [smem:$0x3F9C];
	_ =	swait.ge [sflag:s4], $0x0  }
0x19: {  	s7 =	sld [smem:$0x3F9D]  }
0x1a: {  	s8 =	sadd.s32 $0xFFFFE003, lr  }
0x1b: {  	s9 =	sadd.s32 $0xFFFFFEF7, lr;
	s5 =	simm.s32 $0xFFFFFFFF;
	p2 =	slt.u32 s8, $0xFFFFF086  }
0x1c: {  	p1 =	slt.u32 s9, $0xF7A;
	s5 =	simm.s32 @!p2 $0x0  }
0x1d: {  	s5 =	simm.s32 @p1 $0x1;
	p0 =	seq.s32 s7, s2  }
0x1e: {  	s7 =	smul.u32 @!p0 $0xF7A, s2;
	p2 =	seq.s32 @!p0 s5, $0x0  }
0x1f: {  	s9 =	smul.u32 $0xF7A, s1;
	s8 =	simm.s32 @!p0 $0x1BF5;
	p2 =	por !p2, p0  }
0x20: {  	[sflag:s8] =	ssyncset.s32 @!p0 $0xFFFFF086;
	s6 =	sadd.s32 @!p0 s3, s7;
	s7 =	simm.s32 @!p0 $0x108  }
0x21: {  	s3 =	sadd.s32 s3, s9;
	s6 =	sadd.s32 @!p0 $0x88, s6;
	s7 =	simm.s32 @p2 $0x1082  }
0x22: {  	[simem:s7], [sflag:s8] =	dma.local @!p0 [hbm:s6], $0xF7A  }
0x23: {  	s9 =	sor.u32 $0xD0000000, s2;
	s6 =	simm.s32 $0x108;
	_ =	swait.ge @!p0 [sflag:s8], $0x0  }
0x24: {  	s3 =	sadd.s32 $0x88, s3;
	s6 =	simm.s32 @!p1 $0x1082;
	[sflag:s4] =	ssyncset.s32 $0xFFFFF086  }
0x25: {  	[simem:s6], [sflag:s4] =	dma.local [hbm:s3], $0xF7A  }
0x26: {  	[smem:$0x3F9D] =	sst s1;
	(tag) =	ssettag s2;
	_ =	strace s9  }
0x27: {  	s1 =	sld [smem:$0x3FAD]  }
0x28: {  	s2 =	sld [smem:$0x3FAE]  }
0x29: {  	s4 =	sld [smem:$0x3FB0]  }
0x2a: {  	p0 =	seq.s32 s5, $0x0;
	s5 =	sld [smem:$0x3FB1]  }
0x2b: {  	s6 =	sld [smem:$0x3FB2]  }
0x2c: {  	s7 =	sld [smem:$0x3FB3]  }
0x2d: {  	s3 =	simm.s32 $0x108;
	s8 =	sld [smem:$0x3FB4]  }
0x2e: {  	s3 =	simm.s32 @!p0 $0x1082;
	s9 =	sld [smem:$0x3FB5]  }
0x2f: {  	lr =	sadd.s32 s0, s3;
	s0 =	sld [smem:$0x3FAC]  }
0x30: {  	s3 =	sld [smem:$0x3FAF]  }
0x31: {  	[smem:$0x3FB8] =	sst s10  }
0x32: {  	s10 =	sld [smem:$0x3FB6];
	_ =	sdelay $0x3  }
0x33: {  	p0 =	seq.s32 s10, $0x1;
	s10 =	sld [smem:$0x3FB8];
	_ =	sdelay $0x3  }
0x34: {  	[smem:$0x3FB8] =	sst s10  }
0x35: {  	s10 =	sld [smem:$0x3FB7];
	_ =	sdelay $0x3  }
0x36: {  	p1 =	seq.s32 s10, $0x1;
	s10 =	sld [smem:$0x3FB8];
	_ =	sdelay $0x3  }
0x37: {  	[smem:$0x3FB8] =	sst s10  }
0x38: {  	s10 =	sld [smem:$0x3FB9]  }
0x39: {  	_ = 	snop;
	(pc) =	sbr.ind lr, $3  }
0x3a: {  	_ = 	snop  }
0x3b: {  	_ = 	snop  }
0x3c: {  	p2 =	seq.s32 s10, $0x1;
	s10 =	sld [smem:$0x3FB8]  }
0x3d: {  	_ =	shalt  }
0x3e: {  	_ =	shalt  }
0x3f: {  	_ =	shalt  }
0x40: {  	_ =	shalt  }
0x41: {  	_ =	shalt  }
0x42: {  	_ =	shalt  }
0x43: {  	_ =	shalt  }
0x44: {  	_ =	shalt  }
0x45: {  	_ =	shalt  }
0x46: {  	_ =	shalt  }
0x47: {  	_ =	shalt  }
0x48: {  	_ =	shalt  }
0x49: {  	_ =	shalt  }
0x4a: {  	_ =	shalt  }
0x4b: {  	_ =	shalt  }
0x4c: {  	_ =	shalt  }
0x4d: {  	_ =	shalt  }
0x4e: {  	_ =	shalt  }
0x4f: {  	_ =	shalt  }
0x50: {  	_ =	shalt  }
0x51: {  	_ =	shalt  }
0x52: {  	_ =	shalt  }
0x53: {  	_ =	shalt  }
0x54: {  	_ =	shalt  }
0x55: {  	_ =	shalt  }
0x56: {  	_ =	shalt  }
0x57: {  	_ =	shalt  }
0x58: {  	_ =	shalt  }
0x59: {  	_ =	shalt  }
0x5a: {  	_ =	shalt  }
0x5b: {  	_ =	shalt  }
0x5c: {  	_ =	shalt  }
0x5d: {  	_ =	shalt  }
0x5e: {  	_ =	shalt  }
0x5f: {  	_ =	shalt  }
0x60: {  	_ =	shalt  }
0x61: {  	_ =	shalt  }
0x62: {  	_ =	shalt  }
0x63: {  	_ =	shalt  }
0x64: {  	_ =	shalt  }
0x65: {  	_ =	shalt  }
0x66: {  	_ =	shalt  }
0x67: {  	_ =	shalt  }
0x68: {  	_ =	shalt  }
0x69: {  	_ =	shalt  }
0x6a: {  	_ =	shalt  }
0x6b: {  	_ =	shalt  }
0x6c: {  	_ =	shalt  }
0x6d: {  	_ =	shalt  }
0x6e: {  	_ =	shalt  }
0x6f: {  	_ =	shalt  }
0x70: {  	_ =	shalt  }
0x71: {  	_ =	shalt  }
0x72: {  	_ =	shalt  }
0x73: {  	_ =	shalt  }
0x74: {  	_ =	shalt  }
0x75: {  	_ =	shalt  }
0x76: {  	_ =	shalt  }
0x77: {  	_ =	shalt  }
0x78: {  	_ =	shalt  }
0x79: {  	_ =	shalt  }
0x7a: {  	_ =	shalt  }
0x7b: {  	_ =	shalt  }
0x7c: {  	_ =	shalt  }
0x7d: {  	_ =	shalt  }
0x7e: {  	_ =	shalt  }
0x7f: {  	_ =	shalt  }
0x80: {  	_ =	shalt  }
0x81: {  	_ =	shalt  }
0x82: {  	_ =	shalt  }
0x83: {  	_ =	shalt  }
0x84: {  	_ =	shalt  }
0x85: {  	_ =	shalt  }
0x86: {  	_ =	shalt  }
0x87: {  	_ =	shalt  }
.Lfunc_end0:
.L_simem_size_0:
called_computation_lowered:
.L_overlay_start_0:
0x88: {  	s2 =	sld [smem:$0x3FD9]  }
0x89: {  	s3 =	sld [smem:$0x3FFE];
	_ =	sdelay $0x1  }
0x8a: {  	s1 =	srdreg.scid  }
0x8b: {  	s0 =	sand.u32 $0x1, s1  }
0x8c: {  	s14 =	sshll.u32 s0, $0xA;
	s2 =	sadd.s32 s3, s2  }
0x8d: {  	s2 =	sadd.s32 s2, s14  }
0x8e: {  	[smem:$0x3FC4] =	sst s2  }
0x8f: {  	_ = 	snop  }
0x90: {  	s2 =	sld [smem:$0x3FD0];
	_ =	sdelay $0x2  }
0x91: {  	s15 =	simm.s32 $0xA;
	s4 =	simm.s32 $0x10  }
0x92: {  	[smem:s4], [sflag:s15] =	dma.local [hbm:s2], $0x1  }
0x93: {  	_ =	swait.eq [sflag:s15], $0x1  }
0x94: {  	[sflag:s15] =	ssyncset.done $0x0  }
0x95: {  	[sflag:s15] =	ssyncadd.s32 $0xFFFFFFFF  }
0x96: {  	s16 =	sld [smem:$0x11];
	(tm) =	ssettm $0x1  }
0x97: {  	s17 =	sld [smem:$0x3FFB];
	_ =	sdelay $0x3  }
0x98: {  	_ =	strace s17  }
0x99: {  	s3 =	sld [smem:$0x3FFC];
	_ =	sdelay $0x3  }
0x9a: {  	_ =	strace s3  }
0x9b: {  	s3 =	sld [smem:$0x3FFD];
	_ =	sdelay $0x3  }
0x9c: {  	_ =	strace s3  }
0x9d: {  	_ =	strace $0x8FFFFFFF  }
0x9e: {  	s18 =	sld [smem:$0x3FDB];
	_ =	sdelay $0x1  }
0x9f: {  	s19 =	simm.s32 $_scs_section_size  }
0xa0: {  	s5 =	simm.s32 $_size__tile_overlayer_lowered;
	s6 =	simm.s32 $_tile_overlayer_lowered  }
0xa1: {  	s22 =	simm.s32 $0x1BFF;
	s21 =	sshll.u32 s6, $0x1;
	s3 =	sadd.s32 s19, s18  }
0xa2: {  	s7 =	simm.s32 $0x0;
	s20 =	sshll.u32 s5, $0x1;
	s5 =	sadd.s32 s21, s3  }
0xa3: {  	[timem:s7], [sflag:s22] =	dma.local [hbm:s5], s20  }
0xa4: {  	_ =	swait.ge [sflag:s22], s20  }
0xa5: {  	s4 =	ssub.s32 $0x0, s20;
	[sflag:s22] =	ssyncset.done $0x0  }
0xa6: {  	[sflag:s22] =	ssyncadd.s32 s4;
	_ =	sdelay $0x1  }
0xa7: {  	s23 =	simm.s32 $0x1B8B  }
0xa8: {  	_ =	swait.ge [sflag:s23], $0x1  }
0xa9: {  	[sflag:s23] =	ssyncset.done $0x0  }
0xaa: {  	s25 =	simm.s32 $0x1B8E;
	s24 =	sld [smem:$0x3FFE];
	[sflag:s23] =	ssyncadd.s32 $0xFFFFFFFF  }
0xab: {  	s26 =	simm.s32 $execute0_lowered;
	[smem:$0x3FD2] =	sst s25  }
0xac: {  	s5 =	sshll.u32 s26, $0x1;
	_ =	strace $0x80000046;
	[dreg:$0x1] =	wrdreg $0xFFFFFFFF  }
0xad: {  	s28 =	simm.s32 $_size_execute0_lowered;
	s3 =	sadd.s32 s3, s5;
	[dreg:$0x0] =	wrdreg $0x0  }
0xae: {  	s5 =	sshll.u32 s28, $0x1;
	[dreg:$0x2] =	wrdreg s3  }
0xaf: {  	[dreg:$0x3] =	wrdreg s5  }
0xb0: {  	[dreg:$0x4] =	wrdreg $0xC0  }
0xb1: {  	_ =	task [dreg:s7], $0x5FFFF  }
0xb2: {  	[dreg:$0x1] =	wrdreg $0xFFFFFFFF  }
0xb3: {  	[dreg:$0x0] =	wrdreg $0x60  }
0xb4: {  	[dreg:$0x2] =	wrdreg s16  }
0xb5: {  	[dreg:$0x3] =	wrdreg s24  }
0xb6: {  	[dreg:$0x4] =	wrdreg $0x4000  }
0xb7: {  	[dreg:$0x5] =	wrdreg $0x9  }
0xb8: {  	_ =	task.clear_ibuf [dreg:s7], $0x6FFFF;
	_ =	strace $0x90000046  }
0xb9: {  	s29 =	simm.s32 $0x9;
	_ =	strace $0x80000048  }
0xba: {  	_ =	swait.ge [sflag:s29], $0x1  }
0xbb: {  	[sflag:s29] =	ssyncadd.s32 $0xFFFFFFFF  }
0xbc: {  	_ =	strace $0x90000048  }
0xbd: {  	_ =	sfence  }
0xbe: {  	s30 =	sld [smem:$0x0];
	_ =	sdelay $0x2  }
0xbf: {  	s31 =	sshll.u32 s1, $0xD;
	s1 =	sshrl.u32 s1, $0x2  }
0xc0: {  	s3 =	sand.u32 $0x4000, s31;
	s1 =	sadd.s32 s1, s30  }
0xc1: {  	s0 =	sor.u32 s3, s0;
	s1 =	sshll.u32 s1, $0x11  }
0xc2: {  	s0 =	sor.u32 s1, s0  }
0xc3: {  	s0 =	sadd.s32 $0x8F2B, s0  }
0xc4: {  	[sflag:s0] =	ssyncadd.remote.s32 $0x1  }
0xc5: {  	_ =	sfence.sel $0xFFFF  }
0xc6: {  	[dreg:$0x0] =	wrdreg $0xFFFFFFFF;
	(pc) =	sbr.abs _section_cstart, $3  }
0xc7: {  	[dreg:$0x1] =	wrdreg $0xFFFFFFFF  }
0xc8: {  	_ =	task.clear_ibuf [dreg:s7], $0x2FFFF;
	_ =	strace $0x9FFFFFFF  }
0xc9: {  	(tm) =	ssettm $0x7FFFFFFF  }
tec
execute0_lowered:
.L_overlay_start_1:
0x0: {  	(tag) =	ssettag $0x1  }
0x1: {  	s1 =	rddreg [dreg:$0x0]  }
0x2: {  	s5 =	rddreg [dreg:$0x1]  }
0x3: {  	s2 =	srdreg.scid;
	s0 =	stileid.u32  }
0x4: {  	s3 =	rddreg [dreg:$0x2];
	s4 =	simm.s32 $0x0;
	s13 =	simm.s32 $0x5  }
0x5: {  	s14 =	simm.s32 $0x80;
	s15 =	simm.s32 $0x1;
	s16 =	simm.s32 $0x380  }
0x6: {  	s17 =	simm.s32 $0x2;
	s18 =	simm.s32 $0x3;
	s19 =	simm.s32 $0x4  }
0x7: {  	s22 =	simm.s32 $0x20;
	s23 =	simm.s32 $0x10;
	s7 =	smul.u32 $0x500, s0  }
0x8: {  	s6 =	sand.u32 $0x1, s2;
	s2 =	rddreg [dreg:$0x3];
	s9 =	smul.u32 $0x5000, s0  }
0x9: {  	s24 =	simm.s32 $0x0;
	[smem:$0x7FF] =	sst s4;
	s11 =	smul.u32 $0xA00, s0  }
0xa: {  	s20 =	sshll.u32 s0, $0x6;
	s8 =	sshll.u32 s6, $0x7;
	_ =	strace $0x80000047  }
0xb: {  	s6 =	ssub.s32 $0x2, s6;
	s20 =	sor.u32 $0x1C05, s20;
	s7 =	sor.u32 s8, s7  }
0xc: {  	s10 =	sshrl.u32 s6, $0x1;
	s12 =	sor.u32 s8, s9;
	s30 =	sshrl.u32 s11, $0x2  }
0xd: {  	s7 =	sshrl.u32 s7, $0x3;
	s28 =	ssub.s32 s6, s10;
	s29 =	sshrl.u32 s12, $0x3  }
0xe: {  	s31 =	sor.u32 $0x300, s12;
	s6 =	sadd.s32 s30, s3;
	s11 =	sor.u32 $0x200, s12  }
0xf: {  	s12 =	simm.s32 $0x100;
	s26 =	sadd.s32 s7, s5;
	s5 =	sadd.s32 s1, s29  }
0x10: {  	s10 =	sshrl.u32 s31, $0x3;
	s9 =	smax.u32 s28, $0x1;
	s21 =	sshrl.u32 s6, $0x3  }
0x11: {  	v0 =	vimm.f32 $1.000000000e+00;
	v1 =	vimm.f32 $0.0e+00;
	s7 =	sadd.s32 $0x20, s5;
	s8 =	sadd.s32 $0x5E00, s26;
	s10 =	sadd.s32 s10, s1  }
.LBB2_1:
0x12: {  	[tilespmem:$0x380] =	vst v0  }
0x13: {  	[tilespmem:$0x390] =	vst v0  }
0x14: {  	[tilespmem:$0x3A0] =	vst v0  }
0x15: {  	[tilespmem:$0x3B0] =	vst v0  }
0x16: {  	[tilespmem:$0x3C0] =	vst v0  }
0x17: {  	[tilespmem:$0x3D0] =	vst v0  }
0x18: {  	[tilespmem:$0x3E0] =	vst v0  }
0x19: {  	[tilespmem:$0x3F0] =	vst v0  }
0x1a: {  	[tilespmem:$0x100] =	vst v1  }
0x1b: {  	[tilespmem:$0x110] =	vst v1  }
0x1c: {  	[tilespmem:$0x120] =	vst v1  }
0x1d: {  	[tilespmem:$0x130] =	vst v1  }
0x1e: {  	[tilespmem:$0x140] =	vst v1  }
0x1f: {  	[tilespmem:$0x150] =	vst v1  }
0x20: {  	[tilespmem:$0x160] =	vst v1  }
0x21: {  	[tilespmem:$0x170] =	vst v1  }
0x22: {  	[tilespmem:$0x180] =	vst v1  }
0x23: {  	[tilespmem:$0x190] =	vst v1  }
0x24: {  	[tilespmem:$0x1A0] =	vst v1  }
0x25: {  	[tilespmem:$0x1B0] =	vst v1  }
0x26: {  	[tilespmem:$0x1C0] =	vst v1  }
0x27: {  	[tilespmem:$0x1D0] =	vst v1  }
0x28: {  	[tilespmem:$0x1E0] =	vst v1  }
0x29: {  	[tilespmem:$0x1F0] =	vst v1  }
0x2a: {  	[tilespmem:$0x200] =	vst v1  }
0x2b: {  	[tilespmem:$0x210] =	vst v1  }
0x2c: {  	[tilespmem:$0x220] =	vst v1  }
0x2d: {  	[tilespmem:$0x230] =	vst v1  }
0x2e: {  	[tilespmem:$0x240] =	vst v1  }
0x2f: {  	[tilespmem:$0x250] =	vst v1  }
0x30: {  	[tilespmem:$0x260] =	vst v1  }
0x31: {  	[tilespmem:$0x270] =	vst v1  }
0x32: {  	[tilespmem:$0x280] =	vst v1  }
0x33: {  	[tilespmem:$0x290] =	vst v1  }
0x34: {  	[tilespmem:$0x2A0] =	vst v1  }
0x35: {  	[tilespmem:$0x2B0] =	vst v1  }
0x36: {  	[tilespmem:$0x2C0] =	vst v1  }
0x37: {  	[tilespmem:$0x2D0] =	vst v1  }
0x38: {  	[tilespmem:$0x2E0] =	vst v1  }
0x39: {  	[tilespmem:$0x2F0] =	vst v1  }
0x3a: {  	[tilespmem:$0x300] =	vst v1  }
0x3b: {  	[tilespmem:$0x310] =	vst v1  }
0x3c: {  	[tilespmem:$0x320] =	vst v1  }
0x3d: {  	[tilespmem:$0x330] =	vst v1  }
0x3e: {  	[tilespmem:$0x340] =	vst v1  }
0x3f: {  	[tilespmem:$0x350] =	vst v1  }
0x40: {  	[tilespmem:$0x360] =	vst v1  }
0x41: {  	[tilespmem:$0x370] =	vst v1  }
0x42: {  	[spmem:s6] =	stream.linear.scatter [tilespmem:s12], [sflag:$0x5], $0x280, $0x38;
	[tilespmem:$0x680] =	vst v63  }
0x43: {  	_ =	swait.ge [sflag:s13], $0x280  }
0x44: {  	[sflag:s13] =	ssyncset.done $0x0  }
0x45: {  	[sflag:s13] =	ssyncadd.s32 $0xFFFFFD80  }
0x46: {  	[bflag:$0x0] =	sbarrier.arrive $0xFFFF  }
0x47: {  	[tilespmem:s4], [sflag:$0x1] =	stream.linear.gather [hbm4b:s5+s4], $0x80, $0x38;
	[tilespmem:$0x680] =	vst v63  }
0x48: {  	_ = 	snop  }
0x49: {  	[tilespmem:s14], [sflag:$0x2] =	stream.linear.gather [hbm4b:s7+s4], $0x80, $0x38;
	[tilespmem:$0x680] =	vst v63  }
0x4a: {  	_ =	swait.ge [sflag:s15], $0x80  }
0x4b: {  	[sflag:s15] =	ssyncset.done $0x0  }
0x4c: {  	[sflag:s15] =	ssyncadd.s32 $0xFFFFFF80  }
0x4d: {  	[spmem:s3] =	stream.indirect.scatter.add.f32 [tilespmem:s16], [sflag:$0x3], $0x1, s4, s14, $0xb8;
	[tilespmem:$0x680] =	vst v63  }
0x4e: {  	_ =	swait.ge [sflag:s17], $0x80  }
0x4f: {  	[sflag:s17] =	ssyncset.done $0x0  }
0x50: {  	[sflag:s17] =	ssyncadd.s32 $0xFFFFFF80  }
0x51: {  	[spmem:s3] =	stream.indirect.scatter.add.f32 [tilespmem:s16], [sflag:$0x4], $0x1, s14, s14, $0xb8;
	[tilespmem:$0x680] =	vst v63  }
0x52: {  	_ =	swait.ge [sflag:s18], $0x80  }
0x53: {  	s25 =	sshrl.u32 s11, $0x3;
	[sflag:s18] =	ssyncset.done $0x0  }
0x54: {  	s25 =	sadd.s32 s1, s25;
	[sflag:s18] =	ssyncadd.s32 $0xFFFFFF80  }
0x55: {  	[tilespmem:s4], [sflag:$0x1] =	stream.linear.gather [hbm4b:s25+s4], $0x80, $0x38;
	[tilespmem:$0x680] =	vst v63  }
0x56: {  	_ =	swait.ge [sflag:s19], $0x80  }
0x57: {  	s28 =	sadd.s32 $0x0, s10;
	[sflag:s19] =	ssyncset.done $0x0  }
0x58: {  	s26 =	sadd.s32 $0x200, s11;
	s25 =	simm.s32 $0x40;
	[sflag:s19] =	ssyncadd.s32 $0xFFFFFF80  }
.LBB2_2:
0x59: {  	[tilespmem:s14], [sflag:$0x2] =	stream.linear.gather [hbm4b:s28+s4], $0x80, $0x38;
	[tilespmem:$0x680] =	vst v63  }
0x5a: {  	s28 =	smov.u32 s25  }
0x5b: {  	p0 =	sne.s32 s25, $0x980;
	s25 =	sadd.s32 $0x40, s25;
	_ =	swait.ge [sflag:s15], $0x80  }
0x5c: {  	[sflag:s15] =	ssyncset.done $0x0  }
0x5d: {  	[sflag:s15] =	ssyncadd.s32 $0xFFFFFF80  }
0x5e: {  	[spmem:s3] =	stream.indirect.scatter.add.f32 [tilespmem:s16], [sflag:$0x3], $0x1, s4, s14, $0xb8;
	[tilespmem:$0x680] =	vst v63  }
0x5f: {  	_ =	swait.ge [sflag:s17], $0x80  }
0x60: {  	[sflag:s17] =	ssyncset.done $0x0  }
0x61: {  	[sflag:s17] =	ssyncadd.s32 $0xFFFFFF80  }
0x62: {  	[spmem:s3] =	stream.indirect.scatter.add.f32 [tilespmem:s16], [sflag:$0x4], $0x1, s14, s14, $0xb8;
	[tilespmem:$0x680] =	vst v63  }
0x63: {  	_ =	swait.ge [sflag:s18], $0x80  }
0x64: {  	s29 =	sshrl.u32 s26, $0x3;
	[sflag:s18] =	ssyncset.done $0x0  }
.Ltmp0:
0x65: {  	s29 =	sadd.s32 s1, s29;
	[sflag:s18] =	ssyncadd.s32 $0xFFFFFF80;
	(pc) =	sbr.rel @p0 .LBB2_2-.Ltmp0, $4  }
0x66: {  	[tilespmem:s4], [sflag:$0x1] =	stream.linear.gather [hbm4b:s29+s4], $0x80, $0x38;
	[tilespmem:$0x680] =	vst v63  }
0x67: {  	_ =	swait.ge [sflag:s19], $0x80  }
0x68: {  	[sflag:s19] =	ssyncset.done $0x0  }
0x69: {  	s26 =	sadd.s32 $0x200, s26;
	s28 =	sadd.s32 s28, s10;
	[sflag:s19] =	ssyncadd.s32 $0xFFFFFF80  }
0x6a: {  	[tilespmem:s14], [sflag:$0x2] =	stream.linear.gather [hbm4b:s28+s4], $0x80, $0x38;
	[tilespmem:$0x680] =	vst v63  }
0x6b: {  	_ =	swait.ge [sflag:s15], $0x80  }
0x6c: {  	[sflag:s15] =	ssyncset.done $0x0  }
0x6d: {  	[sflag:s15] =	ssyncadd.s32 $0xFFFFFF80  }
0x6e: {  	[spmem:s3] =	stream.indirect.scatter.add.f32 [tilespmem:s16], [sflag:$0x3], $0x1, s4, s14, $0xb8;
	[tilespmem:$0x680] =	vst v63  }
0x6f: {  	_ =	swait.ge [sflag:s17], $0x80  }
0x70: {  	[sflag:s17] =	ssyncset.done $0x0  }
0x71: {  	[sflag:s17] =	ssyncadd.s32 $0xFFFFFF80  }
0x72: {  	[spmem:s3] =	stream.indirect.scatter.add.f32 [tilespmem:s16], [sflag:$0x4], $0x1, s14, s14, $0xb8;
	[tilespmem:$0x680] =	vst v63  }
0x73: {  	_ =	swait.ge [sflag:s18], $0x80  }
0x74: {  	[sflag:s18] =	ssyncset.done $0x0  }
0x75: {  	[sflag:s18] =	ssyncadd.s32 $0xFFFFFF80  }
0x76: {  	_ =	swait.ge [sflag:s19], $0x80  }
0x77: {  	s24 =	sadd.s32 $0x1, s24;
	[sflag:s19] =	ssyncset.done $0x0  }
0x78: {  	p0 =	sne.s32 s24, s9;
	[sflag:s19] =	ssyncadd.s32 $0xFFFFFF80  }
.Ltmp1:
0x79: {  	[bflag:$0x0] =	sbarrier.arrive $0xFFFF;
	(pc) =	sbr.rel @p0 .LBB2_1-.Ltmp1, $4  }
0x7a: {  	[hbm:s8@s22], [sflag:s20] =	dma.strided [spmem:s21@s23], $0x50, s15, $0x10   }
0x7b: {  	_ =	swait.ge [sflag:s13], $0x50  }
0x7c: {  	[sflag:s13] =	ssyncset.done $0x0  }
0x7d: {  	[sflag:s13] =	ssyncadd.s32 $0xFFFFFFB0  }
0x7e: {  	_ =	sfence.sel $0x180000  }
0x7f: {  	[bflag:$0x0] =	sbarrier.arrive $0xFFFF  }
0x80: {  	p0 =	sne.s32 s0, $0x0;
	_ =	strace $0x90000047  }
0x81: {  	s0 =	sadd.s32 @!p0 $0x100000, s2;
	[bflag:$0x2] =	sbarrier.arrive $0xFFFF  }
0x82: {  	[sflag:s0] =	ssyncadd.tile.s32 @!p0 $0x1;
	_ =	shalt  }
.Lfunc_end2:
_tile_overlayer_lowered:
.L_overlay_start_2:
0x83: {  	(tag) =	ssettag $0x2  }
0x84: {  	s0 =	rddreg [dreg:$0x0];
	s2 =	stileid.u32  }
0x85: {  	s1 =	rddreg [dreg:$0x1];
	p0 =	sne.s32 s2, $0x0  }
0x86: {  	s3 =	rddreg [dreg:$0x2];
	[bflag:$0x3] =	sbarrier.arrive $0xFFFF;
	s2 =	simm.s32 @!p0 $0x1C05  }
0x87: {  	[timem:s3], [sflag:s2] =	dma.local @!p0 [hbm:s0], s1  }
0x88: {  	s0 =	simm.s32 @!p0 $0x5  }
0x89: {  	_ =	swait.ge @!p0 [sflag:s0], s1  }
0x8a: {  	s1 =	ssub.s32 @!p0 $0x0, s1;
	[sflag:s0] =	ssyncset.done @!p0 $0x0  }
0x8b: {  	[sflag:s0] =	ssyncadd.s32 @!p0 s1  }
0x8c: {  	[bflag:$0x3] =	sbarrier.arrive $0xFFFF  }
0x8d: {  	_ =	shalt  }

// kernel: kernel.9.cloned.1.call-start
scs
__scs_entry_jumppad:
0x0: {  	(pc) =	sbr.rel $0x88, $3  }
0x1: {  	(tag) =	ssettag $0x0;
	lr =	simm.s32 $0x1  }
0x2: {  	[smem:$0x3F9D] =	sst lr;
	_ =	strace $0xD0000000  }
0x3: {  	_ = 	snop  }
0x4: {  	_ = 	snop  }
0x5: {  	_ = 	snop  }
0x6: {  	_ = 	snop  }
0x7: {  	_ = 	snop  }
__scs_overlays_trampoline_lowered:
0x8: {  	[smem:$0x3FAC] =	sst s0  }
0x9: {  	[smem:$0x3FAD] =	sst s1  }
0xa: {  	[smem:$0x3FAE] =	sst s2  }
0xb: {  	[smem:$0x3FAF] =	sst s3  }
0xc: {  	[smem:$0x3FB0] =	sst s4  }
0xd: {  	[smem:$0x3FB1] =	sst s5  }
0xe: {  	[smem:$0x3FB2] =	sst s6  }
0xf: {  	[smem:$0x3FB3] =	sst s7  }
0x10: {  	[smem:$0x3FB4] =	sst s8  }
0x11: {  	[smem:$0x3FB5] =	sst s9;
	s0 =	simm.s32 @!p0 $0x0  }
0x12: {  	s1 =	sld [smem:$0x3F9B];
	s0 =	simm.s32 @p0 $0x1  }
0x13: {  	[smem:$0x3FB6] =	sst s0;
	s0 =	simm.s32 @!p1 $0x0  }
0x14: {  	s2 =	sld [smem:$0x3F9A];
	s0 =	simm.s32 @p1 $0x1  }
0x15: {  	[smem:$0x3FB7] =	sst s0;
	s0 =	simm.s32 @!p2 $0x0  }
0x16: {  	s3 =	sld [smem:$0x3FDB];
	s0 =	simm.s32 @p2 $0x1  }
0x17: {  	s4 =	simm.s32 $0x1BF5;
	[smem:$0x3FB9] =	sst s0  }
0x18: {  	s0 =	sld [smem:$0x3F9C];
	_ =	swait.ge [sflag:s4], $0x0  }
0x19: {  	s7 =	sld [smem:$0x3F9D]  }
0x1a: {  	s8 =	sadd.s32 $0xFFFFE003, lr  }
0x1b: {  	s9 =	sadd.s32 $0xFFFFFEF7, lr;
	s5 =	simm.s32 $0xFFFFFFFF;
	p2 =	slt.u32 s8, $0xFFFFF086  }
0x1c: {  	p1 =	slt.u32 s9, $0xF7A;
	s5 =	simm.s32 @!p2 $0x0  }
0x1d: {  	s5 =	simm.s32 @p1 $0x1;
	p0 =	seq.s32 s7, s2  }
0x1e: {  	s7 =	smul.u32 @!p0 $0xF7A, s2;
	p2 =	seq.s32 @!p0 s5, $0x0  }
0x1f: {  	s9 =	smul.u32 $0xF7A, s1;
	s8 =	simm.s32 @!p0 $0x1BF5;
	p2 =	por !p2, p0  }
0x20: {  	[sflag:s8] =	ssyncset.s32 @!p0 $0xFFFFF086;
	s6 =	sadd.s32 @!p0 s3, s7;
	s7 =	simm.s32 @!p0 $0x108  }
0x21: {  	s3 =	sadd.s32 s3, s9;
	s6 =	sadd.s32 @!p0 $0x88, s6;
	s7 =	simm.s32 @p2 $0x1082  }
0x22: {  	[simem:s7], [sflag:s8] =	dma.local @!p0 [hbm:s6], $0xF7A  }
0x23: {  	s9 =	sor.u32 $0xD0000000, s2;
	s6 =	simm.s32 $0x108;
	_ =	swait.ge @!p0 [sflag:s8], $0x0  }
0x24: {  	s3 =	sadd.s32 $0x88, s3;
	s6 =	simm.s32 @!p1 $0x1082;
	[sflag:s4] =	ssyncset.s32 $0xFFFFF086  }
0x25: {  	[simem:s6], [sflag:s4] =	dma.local [hbm:s3], $0xF7A  }
0x26: {  	[smem:$0x3F9D] =	sst s1;
	(tag) =	ssettag s2;
	_ =	strace s9  }
0x27: {  	s1 =	sld [smem:$0x3FAD]  }
0x28: {  	s2 =	sld [smem:$0x3FAE]  }
0x29: {  	s4 =	sld [smem:$0x3FB0]  }
0x2a: {  	p0 =	seq.s32 s5, $0x0;
	s5 =	sld [smem:$0x3FB1]  }
0x2b: {  	s6 =	sld [smem:$0x3FB2]  }
0x2c: {  	s7 =	sld [smem:$0x3FB3]  }
0x2d: {  	s3 =	simm.s32 $0x108;
	s8 =	sld [smem:$0x3FB4]  }
0x2e: {  	s3 =	simm.s32 @!p0 $0x1082;
	s9 =	sld [smem:$0x3FB5]  }
0x2f: {  	lr =	sadd.s32 s0, s3;
	s0 =	sld [smem:$0x3FAC]  }
0x30: {  	s3 =	sld [smem:$0x3FAF]  }
0x31: {  	[smem:$0x3FB8] =	sst s10  }
0x32: {  	s10 =	sld [smem:$0x3FB6];
	_ =	sdelay $0x3  }
0x33: {  	p0 =	seq.s32 s10, $0x1;
	s10 =	sld [smem:$0x3FB8];
	_ =	sdelay $0x3  }
0x34: {  	[smem:$0x3FB8] =	sst s10  }
0x35: {  	s10 =	sld [smem:$0x3FB7];
	_ =	sdelay $0x3  }
0x36: {  	p1 =	seq.s32 s10, $0x1;
	s10 =	sld [smem:$0x3FB8];
	_ =	sdelay $0x3  }
0x37: {  	[smem:$0x3FB8] =	sst s10  }
0x38: {  	s10 =	sld [smem:$0x3FB9]  }
0x39: {  	_ = 	snop;
	(pc) =	sbr.ind lr, $3  }
0x3a: {  	_ = 	snop  }
0x3b: {  	_ = 	snop  }
0x3c: {  	p2 =	seq.s32 s10, $0x1;
	s10 =	sld [smem:$0x3FB8]  }
0x3d: {  	_ =	shalt  }
0x3e: {  	_ =	shalt  }
0x3f: {  	_ =	shalt  }
0x40: {  	_ =	shalt  }
0x41: {  	_ =	shalt  }
0x42: {  	_ =	shalt  }
0x43: {  	_ =	shalt  }
0x44: {  	_ =	shalt  }
0x45: {  	_ =	shalt  }
0x46: {  	_ =	shalt  }
0x47: {  	_ =	shalt  }
0x48: {  	_ =	shalt  }
0x49: {  	_ =	shalt  }
0x4a: {  	_ =	shalt  }
0x4b: {  	_ =	shalt  }
0x4c: {  	_ =	shalt  }
0x4d: {  	_ =	shalt  }
0x4e: {  	_ =	shalt  }
0x4f: {  	_ =	shalt  }
0x50: {  	_ =	shalt  }
0x51: {  	_ =	shalt  }
0x52: {  	_ =	shalt  }
0x53: {  	_ =	shalt  }
0x54: {  	_ =	shalt  }
0x55: {  	_ =	shalt  }
0x56: {  	_ =	shalt  }
0x57: {  	_ =	shalt  }
0x58: {  	_ =	shalt  }
0x59: {  	_ =	shalt  }
0x5a: {  	_ =	shalt  }
0x5b: {  	_ =	shalt  }
0x5c: {  	_ =	shalt  }
0x5d: {  	_ =	shalt  }
0x5e: {  	_ =	shalt  }
0x5f: {  	_ =	shalt  }
0x60: {  	_ =	shalt  }
0x61: {  	_ =	shalt  }
0x62: {  	_ =	shalt  }
0x63: {  	_ =	shalt  }
0x64: {  	_ =	shalt  }
0x65: {  	_ =	shalt  }
0x66: {  	_ =	shalt  }
0x67: {  	_ =	shalt  }
0x68: {  	_ =	shalt  }
0x69: {  	_ =	shalt  }
0x6a: {  	_ =	shalt  }
0x6b: {  	_ =	shalt  }
0x6c: {  	_ =	shalt  }
0x6d: {  	_ =	shalt  }
0x6e: {  	_ =	shalt  }
0x6f: {  	_ =	shalt  }
0x70: {  	_ =	shalt  }
0x71: {  	_ =	shalt  }
0x72: {  	_ =	shalt  }
0x73: {  	_ =	shalt  }
0x74: {  	_ =	shalt  }
0x75: {  	_ =	shalt  }
0x76: {  	_ =	shalt  }
0x77: {  	_ =	shalt  }
0x78: {  	_ =	shalt  }
0x79: {  	_ =	shalt  }
0x7a: {  	_ =	shalt  }
0x7b: {  	_ =	shalt  }
0x7c: {  	_ =	shalt  }
0x7d: {  	_ =	shalt  }
0x7e: {  	_ =	shalt  }
0x7f: {  	_ =	shalt  }
0x80: {  	_ =	shalt  }
0x81: {  	_ =	shalt  }
0x82: {  	_ =	shalt  }
0x83: {  	_ =	shalt  }
0x84: {  	_ =	shalt  }
0x85: {  	_ =	shalt  }
0x86: {  	_ =	shalt  }
0x87: {  	_ =	shalt  }
.Lfunc_end0:
.L_simem_size_0:
called_computation.1_lowered:
.L_overlay_start_0:
0x88: {  	s2 =	sld [smem:$0x3FD9]  }
0x89: {  	s3 =	sld [smem:$0x3FFE];
	_ =	sdelay $0x1  }
0x8a: {  	s1 =	srdreg.scid  }
0x8b: {  	s0 =	sand.u32 $0x1, s1  }
0x8c: {  	s14 =	sshll.u32 s0, $0xA;
	s2 =	sadd.s32 s3, s2  }
0x8d: {  	s2 =	sadd.s32 s2, s14  }
0x8e: {  	[smem:$0x3FC4] =	sst s2  }
0x8f: {  	_ = 	snop  }
0x90: {  	s2 =	sld [smem:$0x3FD0];
	_ =	sdelay $0x2  }
0x91: {  	s15 =	simm.s32 $0xA;
	s4 =	simm.s32 $0x10  }
0x92: {  	[smem:s4], [sflag:s15] =	dma.local [hbm:s2], $0x1  }
0x93: {  	_ =	swait.eq [sflag:s15], $0x1  }
0x94: {  	[sflag:s15] =	ssyncset.done $0x0  }
0x95: {  	s16 =	sld [smem:$0x10];
	[sflag:s15] =	ssyncadd.s32 $0xFFFFFFFF  }
0x96: {  	s17 =	sld [smem:$0x11];
	(tm) =	ssettm $0x1  }
0x97: {  	s18 =	sld [smem:$0x3FFB];
	_ =	sdelay $0x3  }
0x98: {  	_ =	strace s18  }
0x99: {  	s4 =	sld [smem:$0x3FFC];
	_ =	sdelay $0x3  }
0x9a: {  	_ =	strace s4  }
0x9b: {  	s4 =	sld [smem:$0x3FFD];
	_ =	sdelay $0x3  }
0x9c: {  	_ =	strace s4  }
0x9d: {  	_ =	strace $0x8FFFFFFF  }
0x9e: {  	s19 =	sld [smem:$0x3FDB];
	_ =	sdelay $0x1  }
0x9f: {  	s5 =	simm.s32 $_scs_section_size  }
0xa0: {  	s6 =	simm.s32 $_size__tile_overlayer_lowered;
	s7 =	simm.s32 $_tile_overlayer_lowered  }
0xa1: {  	s22 =	simm.s32 $0x1BFF;
	s21 =	sshll.u32 s7, $0x1;
	s4 =	sadd.s32 s5, s19  }
0xa2: {  	s8 =	simm.s32 $0x0;
	s20 =	sshll.u32 s6, $0x1;
	s6 =	sadd.s32 s21, s4  }
0xa3: {  	[timem:s8], [sflag:s22] =	dma.local [hbm:s6], s20  }
0xa4: {  	_ =	swait.ge [sflag:s22], s20  }
0xa5: {  	s5 =	ssub.s32 $0x0, s20;
	[sflag:s22] =	ssyncset.done $0x0  }
0xa6: {  	[sflag:s22] =	ssyncadd.s32 s5;
	_ =	sdelay $0x1  }
0xa7: {  	s23 =	simm.s32 $0x1B8B  }
0xa8: {  	_ =	swait.ge [sflag:s23], $0x1  }
0xa9: {  	[sflag:s23] =	ssyncset.done $0x0  }
0xaa: {  	s25 =	simm.s32 $0x1B8E;
	s24 =	sld [smem:$0x3FFE];
	[sflag:s23] =	ssyncadd.s32 $0xFFFFFFFF  }
0xab: {  	s26 =	simm.s32 $execute0_lowered;
	[smem:$0x3FD2] =	sst s25  }
0xac: {  	s6 =	sshll.u32 s26, $0x1;
	_ =	strace $0x80000049;
	[dreg:$0x1] =	wrdreg $0xFFFFFFFF  }
0xad: {  	s28 =	simm.s32 $_size_execute0_lowered;
	s4 =	sadd.s32 s4, s6;
	[dreg:$0x0] =	wrdreg $0x0  }
0xae: {  	s6 =	sshll.u32 s28, $0x1;
	[dreg:$0x2] =	wrdreg s4  }
0xaf: {  	[dreg:$0x3] =	wrdreg s6  }
0xb0: {  	[dreg:$0x4] =	wrdreg $0xC0  }
0xb1: {  	_ =	task [dreg:s8], $0x5FFFF  }
0xb2: {  	[dreg:$0x1] =	wrdreg $0xFFFFFFFF  }
0xb3: {  	[dreg:$0x0] =	wrdreg $0x60  }
0xb4: {  	[dreg:$0x2] =	wrdreg s17  }
0xb5: {  	[dreg:$0x3] =	wrdreg s16  }
0xb6: {  	[dreg:$0x4] =	wrdreg s24  }
0xb7: {  	[dreg:$0x5] =	wrdreg $0xBD000  }
0xb8: {  	[dreg:$0x6] =	wrdreg $0x9  }
0xb9: {  	_ =	task.clear_ibuf [dreg:s8], $0x7FFFF;
	_ =	strace $0x90000049  }
0xba: {  	s29 =	simm.s32 $0x9;
	_ =	strace $0x8000004B  }
0xbb: {  	_ =	swait.ge [sflag:s29], $0x1  }
0xbc: {  	[sflag:s29] =	ssyncadd.s32 $0xFFFFFFFF  }
0xbd: {  	_ =	strace $0x9000004B  }
0xbe: {  	_ =	sfence  }
0xbf: {  	s30 =	sld [smem:$0x0];
	_ =	sdelay $0x2  }
0xc0: {  	s31 =	sshll.u32 s1, $0xD;
	s1 =	sshrl.u32 s1, $0x2  }
0xc1: {  	s3 =	sand.u32 $0x4000, s31;
	s1 =	sadd.s32 s1, s30  }
0xc2: {  	s0 =	sor.u32 s3, s0;
	s1 =	sshll.u32 s1, $0x11  }
0xc3: {  	s0 =	sor.u32 s1, s0  }
0xc4: {  	s0 =	sadd.s32 $0x8F2B, s0  }
0xc5: {  	[sflag:s0] =	ssyncadd.remote.s32 $0x1  }
0xc6: {  	_ =	sfence.sel $0xFFFF  }
0xc7: {  	[dreg:$0x0] =	wrdreg $0xFFFFFFFF;
	(pc) =	sbr.abs _section_cstart, $3  }
0xc8: {  	[dreg:$0x1] =	wrdreg $0xFFFFFFFF  }
0xc9: {  	_ =	task.clear_ibuf [dreg:s8], $0x2FFFF;
	_ =	strace $0x9FFFFFFF  }
0xca: {  	(tm) =	ssettm $0x7FFFFFFF  }
0xcb: {  	_ =	shalt  }
tec
execute0_lowered:
.L_overlay_start_1:
0x0: {  	(tag) =	ssettag $0x1  }
0x1: {  	s0 =	rddreg [dreg:$0x0]  }
0x2: {  	s1 =	rddreg [dreg:$0x1]  }
0x3: {  	s2 =	rddreg [dreg:$0x2];
	s4 =	srdreg.scid  }
0x4: {  	s3 =	rddreg [dreg:$0x3];
	s11 =	stileid.u32  }
0x5: {  	s28 =	simm.s32 $0x5;
	s29 =	simm.s32 $0x2800;
	s7 =	smul.u32 $0x14000, s11  }
0x6: {  	s30 =	simm.s32 $0x80;
	s31 =	simm.s32 $0x2900;
	s16 =	smul.u32 $0x2800, s11  }
0x7: {  	s12 =	simm.s32 $0x0;
	s5 =	sand.u32 $0x1, s4;
	s9 =	smul.u32 $0x50000, s11  }
0x8: {  	s4 =	simm.s32 $0x0;
	s10 =	sadd.s32 $0xE00, s2;
	s26 =	smul.u32 $0x500, s11  }
0x9: {  	s11 =	simm.s32 $0x2;
	s6 =	smul.u32 $0x140000, s5;
	[smem:$0x7FF] =	sst s4  }
0xa: {  	s8 =	ssub.s32 $0x2, s5;
	s5 =	smul.u32 $0x28000, s5;
	_ =	strace $0x8000004A  }
0xb: {  	s17 =	sshrl.u32 s8, $0x1;
	s19 =	sshrl.u32 s9, $0x2;
	s6 =	sadd.s32 s7, s6  }
0xc: {  	s5 =	sadd.s32 s16, s5;
	s7 =	sshrl.u32 s16, $0x3;
	s9 =	sadd.s32 s19, s3  }
0xd: {  	s6 =	sshrl.u32 s6, $0x3;
	s5 =	sshrl.u32 s5, $0x3;
	s7 =	sadd.s32 s10, s7  }
0xe: {  	s21 =	sadd.s32 $0x1400, s9;
	s22 =	sadd.s32 $0x2800, s9;
	[dreg:$0x5] =	wrdreg s7  }
0xf: {  	s23 =	sadd.s32 $0x3C00, s9;
	s24 =	sadd.s32 $0x5000, s9;
	[dreg:$0xa] =	wrdreg s21  }
0x10: {  	s25 =	sadd.s32 $0x6400, s9;
	s16 =	sadd.s32 $0x7800, s9;
	[dreg:$0xb] =	wrdreg s22  }
0x11: {  	s19 =	sadd.s32 $0xB400, s9;
	s2 =	sadd.s32 s6, s2;
	[dreg:$0xc] =	wrdreg s23  }
0x12: {  	s6 =	ssub.s32 s8, s17;
	s1 =	sadd.s32 s1, s5;
	[dreg:$0xd] =	wrdreg s24  }
0x13: {  	s18 =	sadd.s32 $0x10, s7;
	[dreg:$0xe] =	wrdreg s25;
	s17 =	sadd.s32 $0x8C00, s9  }
0x14: {  	s21 =	sadd.s32 $0xDC00, s9;
	s22 =	sadd.s32 $0xF000, s9;
	s23 =	sadd.s32 $0x10400, s9  }
0x15: {  	s24 =	sadd.s32 $0x11800, s9;
	s7 =	simm.s32 $0x3;
	[dreg:$0x6] =	wrdreg s1  }
0x16: {  	s8 =	simm.s32 $0x1;
	[dreg:$0x7] =	wrdreg s18;
	s2 =	sadd.s32 $0x5E00, s2  }
0x17: {  	s20 =	smax.u32 s6, $0x1;
	s18 =	sadd.s32 $0xA000, s9;
	s1 =	sadd.s32 s26, s10  }
0x18: {  	s26 =	sadd.s32 $0x12C00, s9;
	s6 =	simm.s32 $0xA900;
	[dreg:$0x8] =	wrdreg s2  }
0x19: {  	s10 =	simm.s32 $0x4;
	[dreg:$0x9] =	wrdreg s20;
	s20 =	sadd.s32 $0xC800, s9  }
0x1a: {  	v0 =	vimm.f32 $0.0e+00;
	s25 =	sadd.s32 $0x20, s1;
	s1 =	simm.s32 $0x2880;
	s2 =	simm.s32 $0x6900  }
.LBB2_1:
0x1b: {  	s5 =	rddreg [dreg:$0x6]  }
0x1c: {  	[tilespmem:s4], [sflag:$0x5] =	stream.linear.gather [hbm4b:s5+s4], $0x2800, $0x38;
	[tilespmem:$0x1FD00] =	vst v63  }
0x1d: {  	_ =	swait.ge [sflag:s28], $0x2800  }
0x1e: {  	[sflag:s28] =	ssyncset.done $0x0  }
0x1f: {  	s14 =	rddreg [dreg:$0x5];
	[sflag:s28] =	ssyncadd.s32 $0xFFFFD800  }
0x20: {  	[tilespmem:s29], [sflag:$0x3] =	stream.linear.gather [hbm4b:s14+s4], $0x80, $0x38;
	[tilespmem:$0x1FD00] =	vst v63  }
0x21: {  	_ = 	snop  }
0x22: {  	[tilespmem:s31], [sflag:$0x1] =	stream.indirect.gather [hbm4b:s0+s30], $0x80, s4, s30, $0xb8;
	[tilespmem:$0x1FD00] =	vst v63  }
0x23: {  	s15 =	rddreg [dreg:$0x7]  }
0x24: {  	[tilespmem:s1], [sflag:$0x4] =	stream.linear.gather [hbm4b:s15+s4], $0x80, $0x38;
	[tilespmem:$0x1FD00] =	vst v63  }
0x25: {  	s13 =	simm.s32 $0x200;
	s5 =	simm.s32 $0x0  }
0x26: {  	[tilespmem:s2], [sflag:$0x2] =	stream.indirect.gather [hbm4b:s0+s30], $0x80, s30, s30, $0xb8;
	[tilespmem:$0x1FD00] =	vst v63  }
.LBB2_2:
0x27: {  	p0 =	sne.s32 s13, $0x4E00;
	[tilespmem:s5+$0xA970] =	vst v0  }
0x28: {  	[tilespmem:s5+$0xA900] =	vst v0  }
0x29: {  	[tilespmem:s5+$0xA910] =	vst v0  }
.Ltmp0:
0x2a: {  	[tilespmem:s5+$0xA920] =	vst v0;
	(pc) =	sbr.rel @p0 .LBB2_2-.Ltmp0, $4  }
0x2b: {  	[tilespmem:s5+$0xA930] =	vst v0  }
0x2c: {  	[tilespmem:s5+$0xA940] =	vst v0  }
0x2d: {  	[tilespmem:s5+$0xA950] =	vst v0  }
0x2e: {  	[tilespmem:s5+$0xA960] =	vst v0;
	s5 =	sshra.s32 s13, $0x2;
	s13 =	sadd.s32 $0x200, s13  }
0x2f: {  	[tilespmem:s5+$0xA970] =	vst v0  }
0x30: {  	[tilespmem:s5+$0xA900] =	vst v0  }
0x31: {  	[tilespmem:s5+$0xA910] =	vst v0  }
0x32: {  	[tilespmem:s5+$0xA920] =	vst v0  }
0x33: {  	[tilespmem:s5+$0xA930] =	vst v0  }
0x34: {  	[tilespmem:s5+$0xA940] =	vst v0  }
0x35: {  	[tilespmem:s5+$0xA950] =	vst v0  }
0x36: {  	[tilespmem:s5+$0xA960] =	vst v0  }
0x37: {  	[spmem:s9] =	stream.linear.scatter [tilespmem:s6], [sflag:$0x5], $0x1400, $0x38;
	[tilespmem:$0x1FD00] =	vst v63  }
0x38: {  	_ =	swait.ge [sflag:s28], $0x1400  }
0x39: {  	[sflag:s28] =	ssyncset.done $0x0  }
0x3a: {  	s15 =	rddreg [dreg:$0xa];
	[sflag:s28] =	ssyncadd.s32 $0xFFFFEC00  }
0x3b: {  	[spmem:s15] =	stream.linear.scatter [tilespmem:s6], [sflag:$0x5], $0x1400, $0x38;
	[tilespmem:$0x1FD00] =	vst v63  }
0x3c: {  	_ =	swait.ge [sflag:s28], $0x1400  }
0x3d: {  	[sflag:s28] =	ssyncset.done $0x0  }
0x3e: {  	s13 =	rddreg [dreg:$0xb];
	[sflag:s28] =	ssyncadd.s32 $0xFFFFEC00  }
0x3f: {  	[spmem:s13] =	stream.linear.scatter [tilespmem:s6], [sflag:$0x5], $0x1400, $0x38;
	[tilespmem:$0x1FD00] =	vst v63  }
0x40: {  	_ =	swait.ge [sflag:s28], $0x1400  }
0x41: {  	[sflag:s28] =	ssyncset.done $0x0  }
0x42: {  	s14 =	rddreg [dreg:$0xc];
	[sflag:s28] =	ssyncadd.s32 $0xFFFFEC00  }
0x43: {  	[spmem:s14] =	stream.linear.scatter [tilespmem:s6], [sflag:$0x5], $0x1400, $0x38;
	[tilespmem:$0x1FD00] =	vst v63  }
0x44: {  	_ =	swait.ge [sflag:s28], $0x1400  }
0x45: {  	[sflag:s28] =	ssyncset.done $0x0  }
0x46: {  	s15 =	rddreg [dreg:$0xd];
	[sflag:s28] =	ssyncadd.s32 $0xFFFFEC00  }
0x47: {  	[spmem:s15] =	stream.linear.scatter [tilespmem:s6], [sflag:$0x5], $0x1400, $0x38;
	[tilespmem:$0x1FD00] =	vst v63  }
0x48: {  	_ =	swait.ge [sflag:s28], $0x1400  }
0x49: {  	[sflag:s28] =	ssyncset.done $0x0  }
0x4a: {  	s13 =	rddreg [dreg:$0xe];
	[sflag:s28] =	ssyncadd.s32 $0xFFFFEC00  }
0x4b: {  	[spmem:s13] =	stream.linear.scatter [tilespmem:s6], [sflag:$0x5], $0x1400, $0x38;
	[tilespmem:$0x1FD00] =	vst v63  }
0x4c: {  	_ =	swait.ge [sflag:s28], $0x1400  }
0x4d: {  	[sflag:s28] =	ssyncset.done $0x0  }
0x4e: {  	[sflag:s28] =	ssyncadd.s32 $0xFFFFEC00  }
0x4f: {  	[spmem:s16] =	stream.linear.scatter [tilespmem:s6], [sflag:$0x5], $0x1400, $0x38;
	[tilespmem:$0x1FD00] =	vst v63  }
0x50: {  	_ =	swait.ge [sflag:s28], $0x1400  }
0x51: {  	[sflag:s28] =	ssyncset.done $0x0  }
0x52: {  	[sflag:s28] =	ssyncadd.s32 $0xFFFFEC00  }
0x53: {  	[spmem:s17] =	stream.linear.scatter [tilespmem:s6], [sflag:$0x5], $0x1400, $0x38;
	[tilespmem:$0x1FD00] =	vst v63  }
0x54: {  	_ =	swait.ge [sflag:s28], $0x1400  }
0x55: {  	[sflag:s28] =	ssyncset.done $0x0  }
0x56: {  	[sflag:s28] =	ssyncadd.s32 $0xFFFFEC00  }
0x57: {  	[spmem:s18] =	stream.linear.scatter [tilespmem:s6], [sflag:$0x5], $0x1400, $0x38;
	[tilespmem:$0x1FD00] =	vst v63  }
0x58: {  	_ =	swait.ge [sflag:s28], $0x1400  }
0x59: {  	[sflag:s28] =	ssyncset.done $0x0  }
0x5a: {  	[sflag:s28] =	ssyncadd.s32 $0xFFFFEC00  }
0x5b: {  	[spmem:s19] =	stream.linear.scatter [tilespmem:s6], [sflag:$0x5], $0x1400, $0x38;
	[tilespmem:$0x1FD00] =	vst v63  }
0x5c: {  	_ =	swait.ge [sflag:s28], $0x1400  }
0x5d: {  	[sflag:s28] =	ssyncset.done $0x0  }
0x5e: {  	[sflag:s28] =	ssyncadd.s32 $0xFFFFEC00  }
0x5f: {  	[spmem:s20] =	stream.linear.scatter [tilespmem:s6], [sflag:$0x5], $0x1400, $0x38;
	[tilespmem:$0x1FD00] =	vst v63  }
0x60: {  	_ =	swait.ge [sflag:s28], $0x1400  }
0x61: {  	[sflag:s28] =	ssyncset.done $0x0  }
0x62: {  	[sflag:s28] =	ssyncadd.s32 $0xFFFFEC00  }
0x63: {  	[spmem:s21] =	stream.linear.scatter [tilespmem:s6], [sflag:$0x5], $0x1400, $0x38;
	[tilespmem:$0x1FD00] =	vst v63  }
0x64: {  	_ =	swait.ge [sflag:s28], $0x1400  }
0x65: {  	[sflag:s28] =	ssyncset.done $0x0  }
0x66: {  	[sflag:s28] =	ssyncadd.s32 $0xFFFFEC00  }
0x67: {  	[spmem:s22] =	stream.linear.scatter [tilespmem:s6], [sflag:$0x5], $0x1400, $0x38;
	[tilespmem:$0x1FD00] =	vst v63  }
0x68: {  	_ =	swait.ge [sflag:s28], $0x1400  }
0x69: {  	[sflag:s28] =	ssyncset.done $0x0  }
0x6a: {  	[sflag:s28] =	ssyncadd.s32 $0xFFFFEC00  }
0x6b: {  	[spmem:s23] =	stream.linear.scatter [tilespmem:s6], [sflag:$0x5], $0x1400, $0x38;
	[tilespmem:$0x1FD00] =	vst v63  }
0x6c: {  	_ =	swait.ge [sflag:s28], $0x1400  }
0x6d: {  	[sflag:s28] =	ssyncset.done $0x0  }
0x6e: {  	[sflag:s28] =	ssyncadd.s32 $0xFFFFEC00  }
0x6f: {  	[spmem:s24] =	stream.linear.scatter [tilespmem:s6], [sflag:$0x5], $0x1400, $0x38;
	[tilespmem:$0x1FD00] =	vst v63  }
0x70: {  	_ =	swait.ge [sflag:s28], $0x1400  }
0x71: {  	[sflag:s28] =	ssyncset.done $0x0  }
0x72: {  	[sflag:s28] =	ssyncadd.s32 $0xFFFFEC00  }
0x73: {  	[spmem:s26] =	stream.linear.scatter [tilespmem:s6], [sflag:$0x5], $0x1400, $0x38;
	[tilespmem:$0x1FD00] =	vst v63  }
0x74: {  	_ =	swait.ge [sflag:s28], $0x1400  }
0x75: {  	[sflag:s28] =	ssyncset.done $0x0  }
0x76: {  	[sflag:s28] =	ssyncadd.s32 $0xFFFFEC00  }
0x77: {  	[bflag:$0x0] =	sbarrier.arrive $0xFFFF  }
0x78: {  	_ =	swait.ge [sflag:s7], $0x80  }
0x79: {  	[sflag:s7] =	ssyncset.done $0x0  }
0x7a: {  	[sflag:s7] =	ssyncadd.s32 $0xFFFFFF80  }
0x7b: {  	_ =	swait.ge [sflag:s8], $0x4000  }
0x7c: {  	[sflag:s8] =	ssyncset.done $0x0  }
0x7d: {  	[sflag:s8] =	ssyncadd.s32 $0xFFFFC000  }
0x7e: {  	[spmem:s3] =	stream.indirect.scatter.add.f32 [tilespmem:s31], [sflag:$0x5], $0x80, s29, s30, $0xb8;
	[tilespmem:$0x1FD00] =	vst v63  }
0x7f: {  	_ =	swait.ge [sflag:s28], $0x4000  }
0x80: {  	[sflag:s28] =	ssyncset.done $0x0  }
0x81: {  	[sflag:s28] =	ssyncadd.s32 $0xFFFFC000  }
0x82: {  	[tilespmem:s29], [sflag:$0x3] =	stream.linear.gather [hbm4b:s25+s4], $0x80, $0x38;
	[tilespmem:$0x1FD00] =	vst v63  }
0x83: {  	s14 =	simm.s32 $0x100  }
0x84: {  	[tilespmem:s31], [sflag:$0x1] =	stream.indirect.gather [hbm4b:s0+s30], $0x80, s14, s30, $0xb8;
	[tilespmem:$0x1FD00] =	vst v63  }
0x85: {  	_ =	swait.ge [sflag:s10], $0x80  }
0x86: {  	[sflag:s10] =	ssyncset.done $0x0  }
0x87: {  	[sflag:s10] =	ssyncadd.s32 $0xFFFFFF80  }
0x88: {  	_ =	swait.ge [sflag:s11], $0x4000  }
0x89: {  	[sflag:s11] =	ssyncset.done $0x0  }
0x8a: {  	[sflag:s11] =	ssyncadd.s32 $0xFFFFC000  }
0x8b: {  	[spmem:s3] =	stream.indirect.scatter.add.f32 [tilespmem:s2], [sflag:$0x5], $0x80, s1, s30, $0xb8;
	[tilespmem:$0x1FD00] =	vst v63  }
0x8c: {  	_ =	swait.ge [sflag:s28], $0x4000  }
0x8d: {  	s5 =	simm.s32 $0xFFFF6800;
	s15 =	sadd.s32 $0x10, s25;
	[sflag:s28] =	ssyncset.done $0x0  }
0x8e: {  	s13 =	sadd.s32 $0x20, s25;
	s14 =	simm.s32 $0x180;
	[sflag:s28] =	ssyncadd.s32 $0xFFFFC000  }
0x8f: {  	[tilespmem:s1], [sflag:$0x4] =	stream.linear.gather [hbm4b:s15+s4], $0x80, $0x38;
	[tilespmem:$0x1FD00] =	vst v63  }
.LBB2_4:
0x90: {  	[tilespmem:s2], [sflag:$0x2] =	stream.indirect.gather [hbm4b:s0+s30], $0x80, s14, s30, $0xb8;
	[tilespmem:$0x1FD00] =	vst v63  }
0x91: {  	s14 =	smov.u32 s5  }
0x92: {  	p0 =	sne.s32 s5, $0xFFFFFC00;
	s5 =	sadd.s32 $0x400, s5;
	_ =	swait.ge [sflag:s7], $0x80  }
0x93: {  	[sflag:s7] =	ssyncset.done $0x0  }
0x94: {  	[sflag:s7] =	ssyncadd.s32 $0xFFFFFF80  }
0x95: {  	_ =	swait.ge [sflag:s8], $0x4000  }
0x96: {  	[sflag:s8] =	ssyncset.done $0x0  }
0x97: {  	[sflag:s8] =	ssyncadd.s32 $0xFFFFC000  }
0x98: {  	[spmem:s3] =	stream.indirect.scatter.add.f32 [tilespmem:s31], [sflag:$0x5], $0x80, s29, s30, $0xb8;
	[tilespmem:$0x1FD00] =	vst v63  }
0x99: {  	_ =	swait.ge [sflag:s28], $0x4000  }
0x9a: {  	[sflag:s28] =	ssyncset.done $0x0  }
0x9b: {  	s14 =	sshra.s32 s14, $0x2;
	[sflag:s28] =	ssyncadd.s32 $0xFFFFC000  }
0x9c: {  	[tilespmem:s29], [sflag:$0x3] =	stream.linear.gather [hbm4b:s13+s4], $0x80, $0x38;
	[tilespmem:$0x1FD00] =	vst v63  }
0x9d: {  	s15 =	sadd.s32 $0x2800, s14  }
0x9e: {  	[tilespmem:s31], [sflag:$0x1] =	stream.indirect.gather [hbm4b:s0+s30], $0x80, s15, s30, $0xb8;
	[tilespmem:$0x1FD00] =	vst v63  }
0x9f: {  	_ =	swait.ge [sflag:s10], $0x80  }
0xa0: {  	[sflag:s10] =	ssyncset.done $0x0  }
0xa1: {  	[sflag:s10] =	ssyncadd.s32 $0xFFFFFF80  }
0xa2: {  	_ =	swait.ge [sflag:s11], $0x4000  }
0xa3: {  	[sflag:s11] =	ssyncset.done $0x0  }
0xa4: {  	[sflag:s11] =	ssyncadd.s32 $0xFFFFC000  }
0xa5: {  	[spmem:s3] =	stream.indirect.scatter.add.f32 [tilespmem:s2], [sflag:$0x5], $0x80, s1, s30, $0xb8;
	[tilespmem:$0x1FD00] =	vst v63  }
.Ltmp1:
0xa6: {  	_ =	swait.ge [sflag:s28], $0x4000;
	(pc) =	sbr.rel @p0 .LBB2_4-.Ltmp1, $4  }
0xa7: {  	[sflag:s28] =	ssyncset.done $0x0  }
0xa8: {  	s15 =	sadd.s32 $0x10, s13;
	[sflag:s28] =	ssyncadd.s32 $0xFFFFC000  }
0xa9: {  	[tilespmem:s1], [sflag:$0x4] =	stream.linear.gather [hbm4b:s15+s4], $0x80, $0x38;
	[tilespmem:$0x1FD00] =	vst v63  }
0xaa: {  	s14 =	sadd.s32 $0x2880, s14;
	s13 =	sadd.s32 $0x20, s13  }
0xab: {  	[tilespmem:s2], [sflag:$0x2] =	stream.indirect.gather [hbm4b:s0+s30], $0x80, s14, s30, $0xb8;
	[tilespmem:$0x1FD00] =	vst v63  }
0xac: {  	_ =	swait.ge [sflag:s7], $0x80  }
0xad: {  	[sflag:s7] =	ssyncset.done $0x0  }
0xae: {  	[sflag:s7] =	ssyncadd.s32 $0xFFFFFF80  }
0xaf: {  	_ =	swait.ge [sflag:s8], $0x4000  }
0xb0: {  	[sflag:s8] =	ssyncset.done $0x0  }
0xb1: {  	[sflag:s8] =	ssyncadd.s32 $0xFFFFC000  }
0xb2: {  	[spmem:s3] =	stream.indirect.scatter.add.f32 [tilespmem:s31], [sflag:$0x5], $0x80, s29, s30, $0xb8;
	[tilespmem:$0x1FD00] =	vst v63  }
0xb3: {  	_ =	swait.ge [sflag:s28], $0x4000  }
0xb4: {  	[sflag:s28] =	ssyncset.done $0x0  }
0xb5: {  	[sflag:s28] =	ssyncadd.s32 $0xFFFFC000  }
0xb6: {  	_ =	swait.ge [sflag:s10], $0x80  }
0xb7: {  	[sflag:s10] =	ssyncset.done $0x0  }
0xb8: {  	[sflag:s10] =	ssyncadd.s32 $0xFFFFFF80  }
0xb9: {  	_ =	swait.ge [sflag:s11], $0x4000  }
0xba: {  	[sflag:s11] =	ssyncset.done $0x0  }
0xbb: {  	[sflag:s11] =	ssyncadd.s32 $0xFFFFC000  }
0xbc: {  	[spmem:s3] =	stream.indirect.scatter.add.f32 [tilespmem:s2], [sflag:$0x5], $0x80, s1, s30, $0xb8;
	[tilespmem:$0x1FD00] =	vst v63  }
0xbd: {  	_ =	swait.ge [sflag:s28], $0x4000  }
0xbe: {  	[sflag:s28] =	ssyncset.done $0x0  }
0xbf: {  	s5 =	stileid.u32;
	[sflag:s28] =	ssyncadd.s32 $0xFFFFC000  }
0xc0: {  	s5 =	sshll.u32 s5, $0x6;
	[bflag:$0x0] =	sbarrier.arrive $0xFFFF  }
0xc1: {  	s13 =	sshrl.u32 s9, $0x3;
	s5 =	sor.u32 $0x1C05, s5;
	s15 =	rddreg [dreg:$0x8]  }
0xc2: {  	[hbm:s15], [sflag:s5] =	dma.local [spmem:s13], $0x2800  }
0xc3: {  	_ =	swait.ge [sflag:s28], $0x2800  }
0xc4: {  	s12 =	sadd.s32 $0x1, s12;
	s15 =	rddreg [dreg:$0x9]  }
0xc5: {  	p0 =	sne.s32 s12, s15  }
.Ltmp2:
0xc6: {  	_ = 	snop;
	(pc) =	sbr.rel @p0 .LBB2_1-.Ltmp2, $3  }
0xc7: {  	_ =	sdelay $0x1  }
0xc8: {  	[sflag:s28] =	ssyncset.done $0x0  }
0xc9: {  	[sflag:s28] =	ssyncadd.s32 $0xFFFFD800  }
0xca: {  	_ =	sfence.sel $0x180000  }
0xcb: {  	[bflag:$0x0] =	sbarrier.arrive $0xFFFF  }
0xcc: {  	_ =	strace $0x9000004A  }
0xcd: {  	s0 =	stileid.u32;
	[bflag:$0x2] =	sbarrier.arrive $0xFFFF  }
0xce: {  	p0 =	sne.s32 s0, $0x0;
	s0 =	rddreg [dreg:$0x4]  }
0xcf: {  	s0 =	sadd.s32 @!p0 $0x100000, s0  }
0xd0: {  	[sflag:s0] =	ssyncadd.tile.s32 @!p0 $0x1;
	_ =	shalt  }
.Lfunc_end2:
_tile_overlayer_lowered:
.L_overlay_start_2:
0xd1: {  	(tag) =	ssettag $0x2  }
0xd2: {  	s0 =	rddreg [dreg:$0x0];
	s2 =	stileid.u32  }
0xd3: {  	s1 =	rddreg [dreg:$0x1];
	p0 =	sne.s32 s2, $0x0  }
0xd4: {  	s3 =	rddreg [dreg:$0x2];
	[bflag:$0x3] =	sbarrier.arrive $0xFFFF;
	s2 =	simm.s32 @!p0 $0x1C05  }
0xd5: {  	[timem:s3], [sflag:s2] =	dma.local @!p0 [hbm:s0], s1  }
0xd6: {  	s0 =	simm.s32 @!p0 $0x5  }
0xd7: {  	_ =	swait.ge @!p0 [sflag:s0], s1  }
0xd8: {  	s1 =	ssub.s32 @!p0 $0x0, s1;
	[sflag:s0] =	ssyncset.done @!p0 $0x0  }
0xd9: {  	[sflag:s0] =	ssyncadd.s32 @!p0 s1  }
0xda: {  	[bflag:$0x3] =	sbarrier.arrive $0xFFFF  }
0xdb: {  	_ =	shalt  }

</sc_bundles>
